<compile_context>
chip_gen: v7x
topology: tpu7x:2x2x1
jax: 0.10.2.dev20260603
libtpu: 0.0.44.dev20260713+nightly
codegen_flags: <defaults>
</compile_context>

<pallas_src>
import functools

import jax
import jax.numpy as jnp
from jax import lax
from jax.experimental import pallas as pl
from jax.experimental.pallas import tpu as pltpu
from jax.experimental.pallas import tpu_sc as plsc

B = 16384
EMB = 16
TROWS = 1000000
NC, NS = 2, 16
NW = NC * NS
BPW = B // NW
CHUNK = 64
NCHUNK = BPW // CHUNK
BLK = 4096


def _gather_one(idx_hbm, tab_hbm, out_hbm, base, idx_v, sem):
    pltpu.sync_copy(idx_hbm.at[pl.ds(base, BPW)], idx_v)
    lanes = lax.iota(jnp.int32, 16)

    def chunk_body(c, _):
        v = idx_v[pl.ds(c * 16, 16)]
        for k in range(16):
            i = jnp.sum(jnp.where(lanes == k, v, 0))
            pltpu.async_copy(tab_hbm.at[i], out_hbm.at[base + c * 16 + k], sem)
        return ()

    lax.fori_loop(0, BPW // 16, chunk_body, ())
    pltpu.make_async_copy(
        tab_hbm.at[pl.ds(0, BPW)], out_hbm.at[pl.ds(base, BPW)], sem
    ).wait()


def _gather_body(c_idx, u_idx, c_tab, u_tab, c_out, u_out,
                 idx_v, sem_c, sem_u):
    wid = lax.axis_index("s") * NC + lax.axis_index("c")
    base = wid * BPW
    _gather_one(c_idx, c_tab, c_out, base, idx_v, sem_c)
    _gather_one(u_idx, u_tab, u_out, base, idx_v, sem_u)


@functools.cache
def _make_gather():
    return pl.kernel(
        _gather_body,
        mesh=plsc.VectorSubcoreMesh(core_axis_name="c", subcore_axis_name="s",
                                    num_cores=NC, num_subcores=NS),
        out_type=(jax.ShapeDtypeStruct((B, EMB), jnp.float32),
                  jax.ShapeDtypeStruct((B, EMB), jnp.float32)),
        scratch_types=[
            pltpu.VMEM((BPW,), jnp.int32),
            pltpu.SemaphoreType.DMA,
            pltpu.SemaphoreType.DMA,
        ],
        compiler_params=pltpu.CompilerParams(needs_layout_passes=False),
    )


def _mlp_body(c_ref, u_ref, w0_ref, b0_ref, w1_ref, b1_ref, w2_ref, b2_ref,
              w3_ref, b3_ref, w4_ref, b4_ref, w5_ref, b5_ref, o_ref):
    f32 = jnp.float32
    x = (jnp.dot(c_ref[...], w0_ref[0:EMB, :], preferred_element_type=f32)
         + jnp.dot(u_ref[...], w0_ref[EMB:2 * EMB, :], preferred_element_type=f32)
         + b0_ref[...])
    x = jnp.dot(x, w1_ref[...], preferred_element_type=f32) + b1_ref[...]
    x = jnp.maximum(x, 0.0)
    x = jnp.dot(x, w2_ref[...], preferred_element_type=f32) + b2_ref[...]
    x = jnp.maximum(x, 0.0)
    x = jnp.dot(x, w3_ref[...], preferred_element_type=f32) + b3_ref[...]
    x = jnp.maximum(x, 0.0)
    x = jnp.dot(x, w4_ref[...], preferred_element_type=f32) + b4_ref[...]
    x = jnp.maximum(x, 0.0)
    x = jnp.dot(x, w5_ref[...], preferred_element_type=f32) + b5_ref[...]
    o_ref[...] = jnp.maximum(x, 0.0)


def _mlp(c_rows, u_rows, W0, b0, W1, b1, W2, b2, W3, b3, W4, b4, W5, b5,
         interpret=False):
    def full(shape):
        return pl.BlockSpec(shape, lambda i: (0, 0))

    return pl.pallas_call(
        _mlp_body,
        grid=(B // BLK,),
        in_specs=[
            pl.BlockSpec((BLK, EMB), lambda i: (i, 0)),
            pl.BlockSpec((BLK, EMB), lambda i: (i, 0)),
            full(W0.shape), full(b0.shape),
            full(W1.shape), full(b1.shape),
            full(W2.shape), full(b2.shape),
            full(W3.shape), full(b3.shape),
            full(W4.shape), full(b4.shape),
            full(W5.shape), full(b5.shape),
        ],
        out_specs=pl.BlockSpec((BLK, 1), lambda i: (i, 0)),
        out_shape=jax.ShapeDtypeStruct((B, 1), jnp.float32),
        interpret=interpret,
    )(c_rows, u_rows, W0, b0, W1, b1, W2, b2, W3, b3, W4, b4, W5, b5)


def kernel(c_idx, u_idx, c_table, u_table, W0, b0, W1, b1, W2, b2,
           W3, b3, W4, b4, W5, b5):
    c_rows, u_rows = _make_gather()(c_idx.astype(jnp.int32),
                                    u_idx.astype(jnp.int32), c_table, u_table)
    r2 = lambda b: b.reshape(1, -1)
    return _mlp(c_rows, u_rows, W0, r2(b0), W1, r2(b1), W2, r2(b2),
                W3, r2(b3), W4, r2(b4), W5, r2(b5))

# --- scband reference (transcript-rebuilt; emitter-appended) ---
"""Pipeline reference for scband-multi-layer-perceptron-58213986730146 (READ-ONLY COPY).

The authoritative reference and input builder live on the scoring server;
editing this copy changes nothing except your own understanding.
"""

import jax, jax.numpy as jnp
import numpy as np

C_LEN = 1000000
U_LEN = 1000000
EMB = 16
LAYERS = [64, 32, 16, 8, 4, 1]
BATCH = 16384


def setup_inputs(seed: int = 0) -> dict:
    key = jax.random.key(seed)
    ks = jax.random.split(key, 20)
    inp = {}
    inp["c_idx"] = jax.random.randint(ks[0], (BATCH,), 0, C_LEN)
    inp["u_idx"] = jax.random.randint(ks[1], (BATCH,), 0, U_LEN)
    inp["c_table"] = jax.random.normal(ks[2], (C_LEN, EMB), dtype=jnp.float32) * 0.05
    inp["u_table"] = jax.random.normal(ks[3], (U_LEN, EMB), dtype=jnp.float32) * 0.05
    dims = [EMB * 2] + LAYERS
    for i in range(6):
        inp[f"W{i}"] = jax.random.normal(ks[4 + i], (dims[i], dims[i + 1]), dtype=jnp.float32) * (1.0 / np.sqrt(dims[i]))
        inp[f"b{i}"] = jnp.zeros((dims[i + 1],), dtype=jnp.float32)
    return inp


def reference(c_idx, u_idx, c_table, u_table, W0, b0, W1, b1, W2, b2, W3, b3, W4, b4, W5, b5):
    # embedding lookups (gather)
    c_embed = jnp.take(c_table, c_idx, axis=0)
    u_embed = jnp.take(u_table, u_idx, axis=0)
    x = jnp.concatenate([c_embed, u_embed], axis=1)
    # MLP: faithful to torch module -- first Linear has NO ReLU after it;
    # every subsequent Linear in the loop is followed by ReLU (idx never equals len(layers)-1),
    # and self.sig = ReLU is applied once more at the end.
    x = x @ W0 + b0
    x = x @ W1 + b1
    x = jax.nn.relu(x)
    x = x @ W2 + b2
    x = jax.nn.relu(x)
    x = x @ W3 + b3
    x = jax.nn.relu(x)
    x = x @ W4 + b4
    x = jax.nn.relu(x)
    x = x @ W5 + b5
    x = jax.nn.relu(x)
    x = jax.nn.relu(x)
    return x

if __name__ == "__main__":
    import jax
    _d = setup_inputs()
    print(jax.jit(kernel)(*tuple(_d.values())))

</pallas_src>

<mosaic_0001>
#map = affine_map<(d0, d1) -> (0)>
#map1 = affine_map<(d0, d1) -> (0, 0)>
module attributes {stable_mosaic.version = 14 : i64} {
  func.func @_gather_body(%arg0: i32, %arg1: i32, %arg2: memref<16384xi32, #tpu.memory_space<hbm>>, %arg3: memref<16384xi32, #tpu.memory_space<hbm>>, %arg4: memref<1000000x16xf32, #tpu.memory_space<hbm>>, %arg5: memref<1000000x16xf32, #tpu.memory_space<hbm>>, %arg6: memref<16384x16xf32, #tpu.memory_space<hbm>>, %arg7: memref<16384x16xf32, #tpu.memory_space<hbm>>, %arg8: memref<512xi32, #tpu.memory_space<vmem>>, %arg9: memref<!tpu.dma_semaphore, #tpu.memory_space<semaphore_mem>>, %arg10: memref<!tpu.dma_semaphore, #tpu.memory_space<semaphore_mem>>) attributes {dimension_semantics = [#tpu.dimension_semantics<core_parallel>, #tpu.dimension_semantics<subcore_parallel>], iteration_bounds = array<i64: 2, 16>, scalar_prefetch = 0 : i64, scratch_operands = 3 : i64, tpu.core_type = #tpu.core_type<sc_vector_subcore>, window_params = [{transform_indices = #map}, {transform_indices = #map}, {transform_indices = #map1}, {transform_indices = #map1}, {transform_indices = #map1}, {transform_indices = #map1}]} {
    %mul3A = arith.constant 2 : i32
    %mul3A_0 = arith.muli %arg1, %mul3A : i32
    %add3A = arith.addi %mul3A_0, %arg0 : i32
    %mul3A_1 = arith.constant 512 : i32
    %mul3A_2 = arith.muli %add3A, %mul3A_1 : i32
    "tpu.region"() ({
      %run_scoped3A = tpu.sem_alloc : memref<!tpu.dma_semaphore, #tpu.memory_space<semaphore_mem>>
      %dma_start3A = tpu.memref_slice %arg2[%mul3A_2] : memref<16384xi32, #tpu.memory_space<hbm>> -> memref<512xi32, #tpu.memory_space<hbm>>
      %dma_start3A_22 = tpu.memref_slice %arg2[%mul3A_2] : memref<16384xi32, #tpu.memory_space<hbm>> -> memref<512xi32, #tpu.memory_space<hbm>>
      tpu.enqueue_dma source(%dma_start3A_22 : memref<512xi32, #tpu.memory_space<hbm>>) target(%arg8 : memref<512xi32, #tpu.memory_space<vmem>>) target_semaphore(%run_scoped3A : memref<!tpu.dma_semaphore, #tpu.memory_space<semaphore_mem>>)
      %dma_wait3A_23 = tpu.memref_slice %arg2[%mul3A_2] : memref<16384xi32, #tpu.memory_space<hbm>> -> memref<512xi32, #tpu.memory_space<hbm>>
      %dma_wait3A_24 = tpu.memref_slice %arg2[%mul3A_2] : memref<16384xi32, #tpu.memory_space<hbm>> -> memref<512xi32, #tpu.memory_space<hbm>>
      tpu.wait_dma2 semaphore(%run_scoped3A : memref<!tpu.dma_semaphore, #tpu.memory_space<semaphore_mem>>) src(%dma_wait3A_24 : memref<512xi32, #tpu.memory_space<hbm>>) dst(%arg8 : memref<512xi32, #tpu.memory_space<vmem>>)
      tpu.yield
    }) : () -> ()
    %iota3A = tpu.iota {dimensions = array<i32: 0>} : vector<16xi32>
    %scan3A = arith.constant 0 : i32
    %scan3A_3 = arith.constant 32 : i32
    %scan3A_4 = arith.addi %scan3A, %scan3A_3 : i32
    %scan3A_5 = arith.constant 1 : i32
    scf.for %scan3A_22 = %scan3A to %scan3A_4 step %scan3A_5  : i32 {
      %mul3A_23 = arith.constant 16 : i32
      %mul3A_24 = arith.muli %scan3A_22, %mul3A_23 : i32
      %get3A = arith.index_cast %mul3A_24 : i32 to index
      %get3A_25 = tpu.vector_load %arg8[%get3A] {strides = array<i32>} : memref<512xi32, #tpu.memory_space<vmem>>, vector<16xi32>,
      %eq3A = arith.constant 0 : i32
      %eq3A_26 = vector.broadcast %eq3A : i32 to vector<16xi32>
      %eq3A_27 = arith.cmpi eq, %iota3A, %eq3A_26 : vector<16xi32>
      %jit3A = arith.constant 0 : i32
      %broadcast_in_dim3A = vector.broadcast %jit3A : i32 to vector<16xi32>
      %select_n3A = arith.select %eq3A_27, %get3A_25, %broadcast_in_dim3A : vector<16xi1>, vector<16xi32>
      %reduce_sum3A = arith.constant true
      %reduce_sum3A_28 = vector.broadcast %reduce_sum3A : i1 to vector<16xi1>
      %reduce_sum3A_29 = tpu.scan <sum>, %select_n3A masked %reduce_sum3A_28 : vector<16xi32>, vector<16xi1> -> vector<16xi32>
      %reduce_sum3A_30 = vector.extract %reduce_sum3A_29[15] : i32 from vector<16xi32>
      %mul3A_31 = arith.constant 16 : i32
      %mul3A_32 = arith.muli %scan3A_22, %mul3A_31 : i32
      %add3A_33 = arith.addi %mul3A_2, %mul3A_32 : i32
      %add3A_34 = arith.constant 0 : i32
      %add3A_35 = arith.addi %add3A_33, %add3A_34 : i32
      %dma_start3A = arith.constant 0 : i32
      %dma_start3A_36 = tpu.memref_slice %arg6[%add3A_35, %dma_start3A] : memref<16384x16xf32, #tpu.memory_space<hbm>> -> memref<1x16xf32, #tpu.memory_space<hbm>>
      %dma_start3A_37 = tpu.memref_squeeze %dma_start3A_36 : memref<1x16xf32, #tpu.memory_space<hbm>> -> memref<16xf32, #tpu.memory_space<hbm>>
      %dma_start3A_38 = arith.constant 0 : i32
      %dma_start3A_39 = tpu.memref_slice %arg4[%reduce_sum3A_30, %dma_start3A_38] : memref<1000000x16xf32, #tpu.memory_space<hbm>> -> memref<1x16xf32, #tpu.memory_space<hbm>>
      %dma_start3A_40 = tpu.memref_squeeze %dma_start3A_39 : memref<1x16xf32, #tpu.memory_space<hbm>> -> memref<16xf32, #tpu.memory_space<hbm>>
      tpu.enqueue_dma source(%dma_start3A_40 : memref<16xf32, #tpu.memory_space<hbm>>) target(%dma_start3A_37 : memref<16xf32, #tpu.memory_space<hbm>>) target_semaphore(%arg9 : memref<!tpu.dma_semaphore, #tpu.memory_space<semaphore_mem>>)
      %eq3A_41 = arith.constant 1 : i32
      %eq3A_42 = vector.broadcast %eq3A_41 : i32 to vector<16xi32>
      %eq3A_43 = arith.cmpi eq, %iota3A, %eq3A_42 : vector<16xi32>
      %jit3A_44 = arith.constant 0 : i32
      %broadcast_in_dim3A_45 = vector.broadcast %jit3A_44 : i32 to vector<16xi32>
      %select_n3A_46 = arith.select %eq3A_43, %get3A_25, %broadcast_in_dim3A_45 : vector<16xi1>, vector<16xi32>
      %reduce_sum3A_47 = arith.constant true
      %reduce_sum3A_48 = vector.broadcast %reduce_sum3A_47 : i1 to vector<16xi1>
      %reduce_sum3A_49 = tpu.scan <sum>, %select_n3A_46 masked %reduce_sum3A_48 : vector<16xi32>, vector<16xi1> -> vector<16xi32>
      %reduce_sum3A_50 = vector.extract %reduce_sum3A_49[15] : i32 from vector<16xi32>
      %mul3A_51 = arith.constant 16 : i32
      %mul3A_52 = arith.muli %scan3A_22, %mul3A_51 : i32
      %add3A_53 = arith.addi %mul3A_2, %mul3A_52 : i32
      %add3A_54 = arith.constant 1 : i32
      %add3A_55 = arith.addi %add3A_53, %add3A_54 : i32
      %dma_start3A_56 = arith.constant 0 : i32
      %dma_start3A_57 = tpu.memref_slice %arg6[%add3A_55, %dma_start3A_56] : memref<16384x16xf32, #tpu.memory_space<hbm>> -> memref<1x16xf32, #tpu.memory_space<hbm>>
      %dma_start3A_58 = tpu.memref_squeeze %dma_start3A_57 : memref<1x16xf32, #tpu.memory_space<hbm>> -> memref<16xf32, #tpu.memory_space<hbm>>
      %dma_start3A_59 = arith.constant 0 : i32
      %dma_start3A_60 = tpu.memref_slice %arg4[%reduce_sum3A_50, %dma_start3A_59] : memref<1000000x16xf32, #tpu.memory_space<hbm>> -> memref<1x16xf32, #tpu.memory_space<hbm>>
      %dma_start3A_61 = tpu.memref_squeeze %dma_start3A_60 : memref<1x16xf32, #tpu.memory_space<hbm>> -> memref<16xf32, #tpu.memory_space<hbm>>
      tpu.enqueue_dma source(%dma_start3A_61 : memref<16xf32, #tpu.memory_space<hbm>>) target(%dma_start3A_58 : memref<16xf32, #tpu.memory_space<hbm>>) target_semaphore(%arg9 : memref<!tpu.dma_semaphore, #tpu.memory_space<semaphore_mem>>)
      %eq3A_62 = arith.constant 2 : i32
      %eq3A_63 = vector.broadcast %eq3A_62 : i32 to vector<16xi32>
      %eq3A_64 = arith.cmpi eq, %iota3A, %eq3A_63 : vector<16xi32>
      %jit3A_65 = arith.constant 0 : i32
      %broadcast_in_dim3A_66 = vector.broadcast %jit3A_65 : i32 to vector<16xi32>
      %select_n3A_67 = arith.select %eq3A_64, %get3A_25, %broadcast_in_dim3A_66 : vector<16xi1>, vector<16xi32>
      %reduce_sum3A_68 = arith.constant true
      %reduce_sum3A_69 = vector.broadcast %reduce_sum3A_68 : i1 to vector<16xi1>
      %reduce_sum3A_70 = tpu.scan <sum>, %select_n3A_67 masked %reduce_sum3A_69 : vector<16xi32>, vector<16xi1> -> vector<16xi32>
      %reduce_sum3A_71 = vector.extract %reduce_sum3A_70[15] : i32 from vector<16xi32>
      %mul3A_72 = arith.constant 16 : i32
      %mul3A_73 = arith.muli %scan3A_22, %mul3A_72 : i32
      %add3A_74 = arith.addi %mul3A_2, %mul3A_73 : i32
      %add3A_75 = arith.constant 2 : i32
      %add3A_76 = arith.addi %add3A_74, %add3A_75 : i32
      %dma_start3A_77 = arith.constant 0 : i32
      %dma_start3A_78 = tpu.memref_slice %arg6[%add3A_76, %dma_start3A_77] : memref<16384x16xf32, #tpu.memory_space<hbm>> -> memref<1x16xf32, #tpu.memory_space<hbm>>
      %dma_start3A_79 = tpu.memref_squeeze %dma_start3A_78 : memref<1x16xf32, #tpu.memory_space<hbm>> -> memref<16xf32, #tpu.memory_space<hbm>>
      %dma_start3A_80 = arith.constant 0 : i32
      %dma_start3A_81 = tpu.memref_slice %arg4[%reduce_sum3A_71, %dma_start3A_80] : memref<1000000x16xf32, #tpu.memory_space<hbm>> -> memref<1x16xf32, #tpu.memory_space<hbm>>
      %dma_start3A_82 = tpu.memref_squeeze %dma_start3A_81 : memref<1x16xf32, #tpu.memory_space<hbm>> -> memref<16xf32, #tpu.memory_space<hbm>>
      tpu.enqueue_dma source(%dma_start3A_82 : memref<16xf32, #tpu.memory_space<hbm>>) target(%dma_start3A_79 : memref<16xf32, #tpu.memory_space<hbm>>) target_semaphore(%arg9 : memref<!tpu.dma_semaphore, #tpu.memory_space<semaphore_mem>>)
      %eq3A_83 = arith.constant 3 : i32
      %eq3A_84 = vector.broadcast %eq3A_83 : i32 to vector<16xi32>
      %eq3A_85 = arith.cmpi eq, %iota3A, %eq3A_84 : vector<16xi32>
      %jit3A_86 = arith.constant 0 : i32
      %broadcast_in_dim3A_87 = vector.broadcast %jit3A_86 : i32 to vector<16xi32>
      %select_n3A_88 = arith.select %eq3A_85, %get3A_25, %broadcast_in_dim3A_87 : vector<16xi1>, vector<16xi32>
      %reduce_sum3A_89 = arith.constant true
      %reduce_sum3A_90 = vector.broadcast %reduce_sum3A_89 : i1 to vector<16xi1>
      %reduce_sum3A_91 = tpu.scan <sum>, %select_n3A_88 masked %reduce_sum3A_90 : vector<16xi32>, vector<16xi1> -> vector<16xi32>
      %reduce_sum3A_92 = vector.extract %reduce_sum3A_91[15] : i32 from vector<16xi32>
      %mul3A_93 = arith.constant 16 : i32
      %mul3A_94 = arith.muli %scan3A_22, %mul3A_93 : i32
      %add3A_95 = arith.addi %mul3A_2, %mul3A_94 : i32
      %add3A_96 = arith.constant 3 : i32
      %add3A_97 = arith.addi %add3A_95, %add3A_96 : i32
      %dma_start3A_98 = arith.constant 0 : i32
      %dma_start3A_99 = tpu.memref_slice %arg6[%add3A_97, %dma_start3A_98] : memref<16384x16xf32, #tpu.memory_space<hbm>> -> memref<1x16xf32, #tpu.memory_space<hbm>>
      %dma_start3A_100 = tpu.memref_squeeze %dma_start3A_99 : memref<1x16xf32, #tpu.memory_space<hbm>> -> memref<16xf32, #tpu.memory_space<hbm>>
      %dma_start3A_101 = arith.constant 0 : i32
      %dma_start3A_102 = tpu.memref_slice %arg4[%reduce_sum3A_92, %dma_start3A_101] : memref<1000000x16xf32, #tpu.memory_space<hbm>> -> memref<1x16xf32, #tpu.memory_space<hbm>>
      %dma_start3A_103 = tpu.memref_squeeze %dma_start3A_102 : memref<1x16xf32, #tpu.memory_space<hbm>> -> memref<16xf32, #tpu.memory_space<hbm>>
      tpu.enqueue_dma source(%dma_start3A_103 : memref<16xf32, #tpu.memory_space<hbm>>) target(%dma_start3A_100 : memref<16xf32, #tpu.memory_space<hbm>>) target_semaphore(%arg9 : memref<!tpu.dma_semaphore, #tpu.memory_space<semaphore_mem>>)
      %eq3A_104 = arith.constant 4 : i32
      %eq3A_105 = vector.broadcast %eq3A_104 : i32 to vector<16xi32>
      %eq3A_106 = arith.cmpi eq, %iota3A, %eq3A_105 : vector<16xi32>
      %jit3A_107 = arith.constant 0 : i32
      %broadcast_in_dim3A_108 = vector.broadcast %jit3A_107 : i32 to vector<16xi32>
      %select_n3A_109 = arith.select %eq3A_106, %get3A_25, %broadcast_in_dim3A_108 : vector<16xi1>, vector<16xi32>
      %reduce_sum3A_110 = arith.constant true
      %reduce_sum3A_111 = vector.broadcast %reduce_sum3A_110 : i1 to vector<16xi1>
      %reduce_sum3A_112 = tpu.scan <sum>, %select_n3A_109 masked %reduce_sum3A_111 : vector<16xi32>, vector<16xi1> -> vector<16xi32>
      %reduce_sum3A_113 = vector.extract %reduce_sum3A_112[15] : i32 from vector<16xi32>
      %mul3A_114 = arith.constant 16 : i32
      %mul3A_115 = arith.muli %scan3A_22, %mul3A_114 : i32
      %add3A_116 = arith.addi %mul3A_2, %mul3A_115 : i32
      %add3A_117 = arith.constant 4 : i32
      %add3A_118 = arith.addi %add3A_116, %add3A_117 : i32
      %dma_start3A_119 = arith.constant 0 : i32
      %dma_start3A_120 = tpu.memref_slice %arg6[%add3A_118, %dma_start3A_119] : memref<16384x16xf32, #tpu.memory_space<hbm>> -> memref<1x16xf32, #tpu.memory_space<hbm>>
      %dma_start3A_121 = tpu.memref_squeeze %dma_start3A_120 : memref<1x16xf32, #tpu.memory_space<hbm>> -> memref<16xf32, #tpu.memory_space<hbm>>
      %dma_start3A_122 = arith.constant 0 : i32
      %dma_start3A_123 = tpu.memref_slice %arg4[%reduce_sum3A_113, %dma_start3A_122] : memref<1000000x16xf32, #tpu.memory_space<hbm>> -> memref<1x16xf32, #tpu.memory_space<hbm>>
      %dma_start3A_124 = tpu.memref_squeeze %dma_start3A_123 : memref<1x16xf32, #tpu.memory_space<hbm>> -> memref<16xf32, #tpu.memory_space<hbm>>
      tpu.enqueue_dma source(%dma_start3A_124 : memref<16xf32, #tpu.memory_space<hbm>>) target(%dma_start3A_121 : memref<16xf32, #tpu.memory_space<hbm>>) target_semaphore(%arg9 : memref<!tpu.dma_semaphore, #tpu.memory_space<semaphore_mem>>)
      %eq3A_125 = arith.constant 5 : i32
      %eq3A_126 = vector.broadcast %eq3A_125 : i32 to vector<16xi32>
      %eq3A_127 = arith.cmpi eq, %iota3A, %eq3A_126 : vector<16xi32>
      %jit3A_128 = arith.constant 0 : i32
      %broadcast_in_dim3A_129 = vector.broadcast %jit3A_128 : i32 to vector<16xi32>
      %select_n3A_130 = arith.select %eq3A_127, %get3A_25, %broadcast_in_dim3A_129 : vector<16xi1>, vector<16xi32>
      %reduce_sum3A_131 = arith.constant true
      %reduce_sum3A_132 = vector.broadcast %reduce_sum3A_131 : i1 to vector<16xi1>
      %reduce_sum3A_133 = tpu.scan <sum>, %select_n3A_130 masked %reduce_sum3A_132 : vector<16xi32>, vector<16xi1> -> vector<16xi32>
      %reduce_sum3A_134 = vector.extract %reduce_sum3A_133[15] : i32 from vector<16xi32>
      %mul3A_135 = arith.constant 16 : i32
      %mul3A_136 = arith.muli %scan3A_22, %mul3A_135 : i32
      %add3A_137 = arith.addi %mul3A_2, %mul3A_136 : i32
      %add3A_138 = arith.constant 5 : i32
      %add3A_139 = arith.addi %add3A_137, %add3A_138 : i32
      %dma_start3A_140 = arith.constant 0 : i32
      %dma_start3A_141 = tpu.memref_slice %arg6[%add3A_139, %dma_start3A_140] : memref<16384x16xf32, #tpu.memory_space<hbm>> -> memref<1x16xf32, #tpu.memory_space<hbm>>
      %dma_start3A_142 = tpu.memref_squeeze %dma_start3A_141 : memref<1x16xf32, #tpu.memory_space<hbm>> -> memref<16xf32, #tpu.memory_space<hbm>>
      %dma_start3A_143 = arith.constant 0 : i32
      %dma_start3A_144 = tpu.memref_slice %arg4[%reduce_sum3A_134, %dma_start3A_143] : memref<1000000x16xf32, #tpu.memory_space<hbm>> -> memref<1x16xf32, #tpu.memory_space<hbm>>
      %dma_start3A_145 = tpu.memref_squeeze %dma_start3A_144 : memref<1x16xf32, #tpu.memory_space<hbm>> -> memref<16xf32, #tpu.memory_space<hbm>>
      tpu.enqueue_dma source(%dma_start3A_145 : memref<16xf32, #tpu.memory_space<hbm>>) target(%dma_start3A_142 : memref<16xf32, #tpu.memory_space<hbm>>) target_semaphore(%arg9 : memref<!tpu.dma_semaphore, #tpu.memory_space<semaphore_mem>>)
      %eq3A_146 = arith.constant 6 : i32
      %eq3A_147 = vector.broadcast %eq3A_146 : i32 to vector<16xi32>
      %eq3A_148 = arith.cmpi eq, %iota3A, %eq3A_147 : vector<16xi32>
      %jit3A_149 = arith.constant 0 : i32
      %broadcast_in_dim3A_150 = vector.broadcast %jit3A_149 : i32 to vector<16xi32>
      %select_n3A_151 = arith.select %eq3A_148, %get3A_25, %broadcast_in_dim3A_150 : vector<16xi1>, vector<16xi32>
      %reduce_sum3A_152 = arith.constant true
      %reduce_sum3A_153 = vector.broadcast %reduce_sum3A_152 : i1 to vector<16xi1>
      %reduce_sum3A_154 = tpu.scan <sum>, %select_n3A_151 masked %reduce_sum3A_153 : vector<16xi32>, vector<16xi1> -> vector<16xi32>
      %reduce_sum3A_155 = vector.extract %reduce_sum3A_154[15] : i32 from vector<16xi32>
      %mul3A_156 = arith.constant 16 : i32
      %mul3A_157 = arith.muli %scan3A_22, %mul3A_156 : i32
      %add3A_158 = arith.addi %mul3A_2, %mul3A_157 : i32
      %add3A_159 = arith.constant 6 : i32
      %add3A_160 = arith.addi %add3A_158, %add3A_159 : i32
      %dma_start3A_161 = arith.constant 0 : i32
      %dma_start3A_162 = tpu.memref_slice %arg6[%add3A_160, %dma_start3A_161] : memref<16384x16xf32, #tpu.memory_space<hbm>> -> memref<1x16xf32, #tpu.memory_space<hbm>>
      %dma_start3A_163 = tpu.memref_squeeze %dma_start3A_162 : memref<1x16xf32, #tpu.memory_space<hbm>> -> memref<16xf32, #tpu.memory_space<hbm>>
      %dma_start3A_164 = arith.constant 0 : i32
      %dma_start3A_165 = tpu.memref_slice %arg4[%reduce_sum3A_155, %dma_start3A_164] : memref<1000000x16xf32, #tpu.memory_space<hbm>> -> memref<1x16xf32, #tpu.memory_space<hbm>>
      %dma_start3A_166 = tpu.memref_squeeze %dma_start3A_165 : memref<1x16xf32, #tpu.memory_space<hbm>> -> memref<16xf32, #tpu.memory_space<hbm>>
      tpu.enqueue_dma source(%dma_start3A_166 : memref<16xf32, #tpu.memory_space<hbm>>) target(%dma_start3A_163 : memref<16xf32, #tpu.memory_space<hbm>>) target_semaphore(%arg9 : memref<!tpu.dma_semaphore, #tpu.memory_space<semaphore_mem>>)
      %eq3A_167 = arith.constant 7 : i32
      %eq3A_168 = vector.broadcast %eq3A_167 : i32 to vector<16xi32>
      %eq3A_169 = arith.cmpi eq, %iota3A, %eq3A_168 : vector<16xi32>
      %jit3A_170 = arith.constant 0 : i32
      %broadcast_in_dim3A_171 = vector.broadcast %jit3A_170 : i32 to vector<16xi32>
      %select_n3A_172 = arith.select %eq3A_169, %get3A_25, %broadcast_in_dim3A_171 : vector<16xi1>, vector<16xi32>
      %reduce_sum3A_173 = arith.constant true
      %reduce_sum3A_174 = vector.broadcast %reduce_sum3A_173 : i1 to vector<16xi1>
      %reduce_sum3A_175 = tpu.scan <sum>, %select_n3A_172 masked %reduce_sum3A_174 : vector<16xi32>, vector<16xi1> -> vector<16xi32>
      %reduce_sum3A_176 = vector.extract %reduce_sum3A_175[15] : i32 from vector<16xi32>
      %mul3A_177 = arith.constant 16 : i32
      %mul3A_178 = arith.muli %scan3A_22, %mul3A_177 : i32
      %add3A_179 = arith.addi %mul3A_2, %mul3A_178 : i32
      %add3A_180 = arith.constant 7 : i32
      %add3A_181 = arith.addi %add3A_179, %add3A_180 : i32
      %dma_start3A_182 = arith.constant 0 : i32
      %dma_start3A_183 = tpu.memref_slice %arg6[%add3A_181, %dma_start3A_182] : memref<16384x16xf32, #tpu.memory_space<hbm>> -> memref<1x16xf32, #tpu.memory_space<hbm>>
      %dma_start3A_184 = tpu.memref_squeeze %dma_start3A_183 : memref<1x16xf32, #tpu.memory_space<hbm>> -> memref<16xf32, #tpu.memory_space<hbm>>
      %dma_start3A_185 = arith.constant 0 : i32
      %dma_start3A_186 = tpu.memref_slice %arg4[%reduce_sum3A_176, %dma_start3A_185] : memref<1000000x16xf32, #tpu.memory_space<hbm>> -> memref<1x16xf32, #tpu.memory_space<hbm>>
      %dma_start3A_187 = tpu.memref_squeeze %dma_start3A_186 : memref<1x16xf32, #tpu.memory_space<hbm>> -> memref<16xf32, #tpu.memory_space<hbm>>
      tpu.enqueue_dma source(%dma_start3A_187 : memref<16xf32, #tpu.memory_space<hbm>>) target(%dma_start3A_184 : memref<16xf32, #tpu.memory_space<hbm>>) target_semaphore(%arg9 : memref<!tpu.dma_semaphore, #tpu.memory_space<semaphore_mem>>)
      %eq3A_188 = arith.constant 8 : i32
      %eq3A_189 = vector.broadcast %eq3A_188 : i32 to vector<16xi32>
      %eq3A_190 = arith.cmpi eq, %iota3A, %eq3A_189 : vector<16xi32>
      %jit3A_191 = arith.constant 0 : i32
      %broadcast_in_dim3A_192 = vector.broadcast %jit3A_191 : i32 to vector<16xi32>
      %select_n3A_193 = arith.select %eq3A_190, %get3A_25, %broadcast_in_dim3A_192 : vector<16xi1>, vector<16xi32>
      %reduce_sum3A_194 = arith.constant true
      %reduce_sum3A_195 = vector.broadcast %reduce_sum3A_194 : i1 to vector<16xi1>
      %reduce_sum3A_196 = tpu.scan <sum>, %select_n3A_193 masked %reduce_sum3A_195 : vector<16xi32>, vector<16xi1> -> vector<16xi32>
      %reduce_sum3A_197 = vector.extract %reduce_sum3A_196[15] : i32 from vector<16xi32>
      %mul3A_198 = arith.constant 16 : i32
      %mul3A_199 = arith.muli %scan3A_22, %mul3A_198 : i32
      %add3A_200 = arith.addi %mul3A_2, %mul3A_199 : i32
      %add3A_201 = arith.constant 8 : i32
      %add3A_202 = arith.addi %add3A_200, %add3A_201 : i32
      %dma_start3A_203 = arith.constant 0 : i32
      %dma_start3A_204 = tpu.memref_slice %arg6[%add3A_202, %dma_start3A_203] : memref<16384x16xf32, #tpu.memory_space<hbm>> -> memref<1x16xf32, #tpu.memory_space<hbm>>
      %dma_start3A_205 = tpu.memref_squeeze %dma_start3A_204 : memref<1x16xf32, #tpu.memory_space<hbm>> -> memref<16xf32, #tpu.memory_space<hbm>>
      %dma_start3A_206 = arith.constant 0 : i32
      %dma_start3A_207 = tpu.memref_slice %arg4[%reduce_sum3A_197, %dma_start3A_206] : memref<1000000x16xf32, #tpu.memory_space<hbm>> -> memref<1x16xf32, #tpu.memory_space<hbm>>
      %dma_start3A_208 = tpu.memref_squeeze %dma_start3A_207 : memref<1x16xf32, #tpu.memory_space<hbm>> -> memref<16xf32, #tpu.memory_space<hbm>>
      tpu.enqueue_dma source(%dma_start3A_208 : memref<16xf32, #tpu.memory_space<hbm>>) target(%dma_start3A_205 : memref<16xf32, #tpu.memory_space<hbm>>) target_semaphore(%arg9 : memref<!tpu.dma_semaphore, #tpu.memory_space<semaphore_mem>>)
      %eq3A_209 = arith.constant 9 : i32
      %eq3A_210 = vector.broadcast %eq3A_209 : i32 to vector<16xi32>
      %eq3A_211 = arith.cmpi eq, %iota3A, %eq3A_210 : vector<16xi32>
      %jit3A_212 = arith.constant 0 : i32
      %broadcast_in_dim3A_213 = vector.broadcast %jit3A_212 : i32 to vector<16xi32>
      %select_n3A_214 = arith.select %eq3A_211, %get3A_25, %broadcast_in_dim3A_213 : vector<16xi1>, vector<16xi32>
      %reduce_sum3A_215 = arith.constant true
      %reduce_sum3A_216 = vector.broadcast %reduce_sum3A_215 : i1 to vector<16xi1>
      %reduce_sum3A_217 = tpu.scan <sum>, %select_n3A_214 masked %reduce_sum3A_216 : vector<16xi32>, vector<16xi1> -> vector<16xi32>
      %reduce_sum3A_218 = vector.extract %reduce_sum3A_217[15] : i32 from vector<16xi32>
      %mul3A_219 = arith.constant 16 : i32
      %mul3A_220 = arith.muli %scan3A_22, %mul3A_219 : i32
      %add3A_221 = arith.addi %mul3A_2, %mul3A_220 : i32
      %add3A_222 = arith.constant 9 : i32
      %add3A_223 = arith.addi %add3A_221, %add3A_222 : i32
      %dma_start3A_224 = arith.constant 0 : i32
      %dma_start3A_225 = tpu.memref_slice %arg6[%add3A_223, %dma_start3A_224] : memref<16384x16xf32, #tpu.memory_space<hbm>> -> memref<1x16xf32, #tpu.memory_space<hbm>>
      %dma_start3A_226 = tpu.memref_squeeze %dma_start3A_225 : memref<1x16xf32, #tpu.memory_space<hbm>> -> memref<16xf32, #tpu.memory_space<hbm>>
      %dma_start3A_227 = arith.constant 0 : i32
      %dma_start3A_228 = tpu.memref_slice %arg4[%reduce_sum3A_218, %dma_start3A_227] : memref<1000000x16xf32, #tpu.memory_space<hbm>> -> memref<1x16xf32, #tpu.memory_space<hbm>>
      %dma_start3A_229 = tpu.memref_squeeze %dma_start3A_228 : memref<1x16xf32, #tpu.memory_space<hbm>> -> memref<16xf32, #tpu.memory_space<hbm>>
      tpu.enqueue_dma source(%dma_start3A_229 : memref<16xf32, #tpu.memory_space<hbm>>) target(%dma_start3A_226 : memref<16xf32, #tpu.memory_space<hbm>>) target_semaphore(%arg9 : memref<!tpu.dma_semaphore, #tpu.memory_space<semaphore_mem>>)
      %eq3A_230 = arith.constant 10 : i32
      %eq3A_231 = vector.broadcast %eq3A_230 : i32 to vector<16xi32>
      %eq3A_232 = arith.cmpi eq, %iota3A, %eq3A_231 : vector<16xi32>
      %jit3A_233 = arith.constant 0 : i32
      %broadcast_in_dim3A_234 = vector.broadcast %jit3A_233 : i32 to vector<16xi32>
      %select_n3A_235 = arith.select %eq3A_232, %get3A_25, %broadcast_in_dim3A_234 : vector<16xi1>, vector<16xi32>
      %reduce_sum3A_236 = arith.constant true
      %reduce_sum3A_237 = vector.broadcast %reduce_sum3A_236 : i1 to vector<16xi1>
      %reduce_sum3A_238 = tpu.scan <sum>, %select_n3A_235 masked %reduce_sum3A_237 : vector<16xi32>, vector<16xi1> -> vector<16xi32>
      %reduce_sum3A_239 = vector.extract %reduce_sum3A_238[15] : i32 from vector<16xi32>
      %mul3A_240 = arith.constant 16 : i32
      %mul3A_241 = arith.muli %scan3A_22, %mul3A_240 : i32
      %add3A_242 = arith.addi %mul3A_2, %mul3A_241 : i32
      %add3A_243 = arith.constant 10 : i32
      %add3A_244 = arith.addi %add3A_242, %add3A_243 : i32
      %dma_start3A_245 = arith.constant 0 : i32
      %dma_start3A_246 = tpu.memref_slice %arg6[%add3A_244, %dma_start3A_245] : memref<16384x16xf32, #tpu.memory_space<hbm>> -> memref<1x16xf32, #tpu.memory_space<hbm>>
      %dma_start3A_247 = tpu.memref_squeeze %dma_start3A_246 : memref<1x16xf32, #tpu.memory_space<hbm>> -> memref<16xf32, #tpu.memory_space<hbm>>
      %dma_start3A_248 = arith.constant 0 : i32
      %dma_start3A_249 = tpu.memref_slice %arg4[%reduce_sum3A_239, %dma_start3A_248] : memref<1000000x16xf32, #tpu.memory_space<hbm>> -> memref<1x16xf32, #tpu.memory_space<hbm>>
      %dma_start3A_250 = tpu.memref_squeeze %dma_start3A_249 : memref<1x16xf32, #tpu.memory_space<hbm>> -> memref<16xf32, #tpu.memory_space<hbm>>
      tpu.enqueue_dma source(%dma_start3A_250 : memref<16xf32, #tpu.memory_space<hbm>>) target(%dma_start3A_247 : memref<16xf32, #tpu.memory_space<hbm>>) target_semaphore(%arg9 : memref<!tpu.dma_semaphore, #tpu.memory_space<semaphore_mem>>)
      %eq3A_251 = arith.constant 11 : i32
      %eq3A_252 = vector.broadcast %eq3A_251 : i32 to vector<16xi32>
      %eq3A_253 = arith.cmpi eq, %iota3A, %eq3A_252 : vector<16xi32>
      %jit3A_254 = arith.constant 0 : i32
      %broadcast_in_dim3A_255 = vector.broadcast %jit3A_254 : i32 to vector<16xi32>
      %select_n3A_256 = arith.select %eq3A_253, %get3A_25, %broadcast_in_dim3A_255 : vector<16xi1>, vector<16xi32>
      %reduce_sum3A_257 = arith.constant true
      %reduce_sum3A_258 = vector.broadcast %reduce_sum3A_257 : i1 to vector<16xi1>
      %reduce_sum3A_259 = tpu.scan <sum>, %select_n3A_256 masked %reduce_sum3A_258 : vector<16xi32>, vector<16xi1> -> vector<16xi32>
      %reduce_sum3A_260 = vector.extract %reduce_sum3A_259[15] : i32 from vector<16xi32>
      %mul3A_261 = arith.constant 16 : i32
      %mul3A_262 = arith.muli %scan3A_22, %mul3A_261 : i32
      %add3A_263 = arith.addi %mul3A_2, %mul3A_262 : i32
      %add3A_264 = arith.constant 11 : i32
      %add3A_265 = arith.addi %add3A_263, %add3A_264 : i32
      %dma_start3A_266 = arith.constant 0 : i32
      %dma_start3A_267 = tpu.memref_slice %arg6[%add3A_265, %dma_start3A_266] : memref<16384x16xf32, #tpu.memory_space<hbm>> -> memref<1x16xf32, #tpu.memory_space<hbm>>
      %dma_start3A_268 = tpu.memref_squeeze %dma_start3A_267 : memref<1x16xf32, #tpu.memory_space<hbm>> -> memref<16xf32, #tpu.memory_space<hbm>>
      %dma_start3A_269 = arith.constant 0 : i32
      %dma_start3A_270 = tpu.memref_slice %arg4[%reduce_sum3A_260, %dma_start3A_269] : memref<1000000x16xf32, #tpu.memory_space<hbm>> -> memref<1x16xf32, #tpu.memory_space<hbm>>
      %dma_start3A_271 = tpu.memref_squeeze %dma_start3A_270 : memref<1x16xf32, #tpu.memory_space<hbm>> -> memref<16xf32, #tpu.memory_space<hbm>>
      tpu.enqueue_dma source(%dma_start3A_271 : memref<16xf32, #tpu.memory_space<hbm>>) target(%dma_start3A_268 : memref<16xf32, #tpu.memory_space<hbm>>) target_semaphore(%arg9 : memref<!tpu.dma_semaphore, #tpu.memory_space<semaphore_mem>>)
      %eq3A_272 = arith.constant 12 : i32
      %eq3A_273 = vector.broadcast %eq3A_272 : i32 to vector<16xi32>
      %eq3A_274 = arith.cmpi eq, %iota3A, %eq3A_273 : vector<16xi32>
      %jit3A_275 = arith.constant 0 : i32
      %broadcast_in_dim3A_276 = vector.broadcast %jit3A_275 : i32 to vector<16xi32>
      %select_n3A_277 = arith.select %eq3A_274, %get3A_25, %broadcast_in_dim3A_276 : vector<16xi1>, vector<16xi32>
      %reduce_sum3A_278 = arith.constant true
      %reduce_sum3A_279 = vector.broadcast %reduce_sum3A_278 : i1 to vector<16xi1>
      %reduce_sum3A_280 = tpu.scan <sum>, %select_n3A_277 masked %reduce_sum3A_279 : vector<16xi32>, vector<16xi1> -> vector<16xi32>
      %reduce_sum3A_281 = vector.extract %reduce_sum3A_280[15] : i32 from vector<16xi32>
      %mul3A_282 = arith.constant 16 : i32
      %mul3A_283 = arith.muli %scan3A_22, %mul3A_282 : i32
      %add3A_284 = arith.addi %mul3A_2, %mul3A_283 : i32
      %add3A_285 = arith.constant 12 : i32
      %add3A_286 = arith.addi %add3A_284, %add3A_285 : i32
      %dma_start3A_287 = arith.constant 0 : i32
      %dma_start3A_288 = tpu.memref_slice %arg6[%add3A_286, %dma_start3A_287] : memref<16384x16xf32, #tpu.memory_space<hbm>> -> memref<1x16xf32, #tpu.memory_space<hbm>>
      %dma_start3A_289 = tpu.memref_squeeze %dma_start3A_288 : memref<1x16xf32, #tpu.memory_space<hbm>> -> memref<16xf32, #tpu.memory_space<hbm>>
      %dma_start3A_290 = arith.constant 0 : i32
      %dma_start3A_291 = tpu.memref_slice %arg4[%reduce_sum3A_281, %dma_start3A_290] : memref<1000000x16xf32, #tpu.memory_space<hbm>> -> memref<1x16xf32, #tpu.memory_space<hbm>>
      %dma_start3A_292 = tpu.memref_squeeze %dma_start3A_291 : memref<1x16xf32, #tpu.memory_space<hbm>> -> memref<16xf32, #tpu.memory_space<hbm>>
      tpu.enqueue_dma source(%dma_start3A_292 : memref<16xf32, #tpu.memory_space<hbm>>) target(%dma_start3A_289 : memref<16xf32, #tpu.memory_space<hbm>>) target_semaphore(%arg9 : memref<!tpu.dma_semaphore, #tpu.memory_space<semaphore_mem>>)
      %eq3A_293 = arith.constant 13 : i32
      %eq3A_294 = vector.broadcast %eq3A_293 : i32 to vector<16xi32>
      %eq3A_295 = arith.cmpi eq, %iota3A, %eq3A_294 : vector<16xi32>
      %jit3A_296 = arith.constant 0 : i32
      %broadcast_in_dim3A_297 = vector.broadcast %jit3A_296 : i32 to vector<16xi32>
      %select_n3A_298 = arith.select %eq3A_295, %get3A_25, %broadcast_in_dim3A_297 : vector<16xi1>, vector<16xi32>
      %reduce_sum3A_299 = arith.constant true
      %reduce_sum3A_300 = vector.broadcast %reduce_sum3A_299 : i1 to vector<16xi1>
      %reduce_sum3A_301 = tpu.scan <sum>, %select_n3A_298 masked %reduce_sum3A_300 : vector<16xi32>, vector<16xi1> -> vector<16xi32>
      %reduce_sum3A_302 = vector.extract %reduce_sum3A_301[15] : i32 from vector<16xi32>
      %mul3A_303 = arith.constant 16 : i32
      %mul3A_304 = arith.muli %scan3A_22, %mul3A_303 : i32
      %add3A_305 = arith.addi %mul3A_2, %mul3A_304 : i32
      %add3A_306 = arith.constant 13 : i32
      %add3A_307 = arith.addi %add3A_305, %add3A_306 : i32
      %dma_start3A_308 = arith.constant 0 : i32
      %dma_start3A_309 = tpu.memref_slice %arg6[%add3A_307, %dma_start3A_308] : memref<16384x16xf32, #tpu.memory_space<hbm>> -> memref<1x16xf32, #tpu.memory_space<hbm>>
      %dma_start3A_310 = tpu.memref_squeeze %dma_start3A_309 : memref<1x16xf32, #tpu.memory_space<hbm>> -> memref<16xf32, #tpu.memory_space<hbm>>
      %dma_start3A_311 = arith.constant 0 : i32
      %dma_start3A_312 = tpu.memref_slice %arg4[%reduce_sum3A_302, %dma_start3A_311] : memref<1000000x16xf32, #tpu.memory_space<hbm>> -> memref<1x16xf32, #tpu.memory_space<hbm>>
      %dma_start3A_313 = tpu.memref_squeeze %dma_start3A_312 : memref<1x16xf32, #tpu.memory_space<hbm>> -> memref<16xf32, #tpu.memory_space<hbm>>
      tpu.enqueue_dma source(%dma_start3A_313 : memref<16xf32, #tpu.memory_space<hbm>>) target(%dma_start3A_310 : memref<16xf32, #tpu.memory_space<hbm>>) target_semaphore(%arg9 : memref<!tpu.dma_semaphore, #tpu.memory_space<semaphore_mem>>)
      %eq3A_314 = arith.constant 14 : i32
      %eq3A_315 = vector.broadcast %eq3A_314 : i32 to vector<16xi32>
      %eq3A_316 = arith.cmpi eq, %iota3A, %eq3A_315 : vector<16xi32>
      %jit3A_317 = arith.constant 0 : i32
      %broadcast_in_dim3A_318 = vector.broadcast %jit3A_317 : i32 to vector<16xi32>
      %select_n3A_319 = arith.select %eq3A_316, %get3A_25, %broadcast_in_dim3A_318 : vector<16xi1>, vector<16xi32>
      %reduce_sum3A_320 = arith.constant true
      %reduce_sum3A_321 = vector.broadcast %reduce_sum3A_320 : i1 to vector<16xi1>
      %reduce_sum3A_322 = tpu.scan <sum>, %select_n3A_319 masked %reduce_sum3A_321 : vector<16xi32>, vector<16xi1> -> vector<16xi32>
      %reduce_sum3A_323 = vector.extract %reduce_sum3A_322[15] : i32 from vector<16xi32>
      %mul3A_324 = arith.constant 16 : i32
      %mul3A_325 = arith.muli %scan3A_22, %mul3A_324 : i32
      %add3A_326 = arith.addi %mul3A_2, %mul3A_325 : i32
      %add3A_327 = arith.constant 14 : i32
      %add3A_328 = arith.addi %add3A_326, %add3A_327 : i32
      %dma_start3A_329 = arith.constant 0 : i32
      %dma_start3A_330 = tpu.memref_slice %arg6[%add3A_328, %dma_start3A_329] : memref<16384x16xf32, #tpu.memory_space<hbm>> -> memref<1x16xf32, #tpu.memory_space<hbm>>
      %dma_start3A_331 = tpu.memref_squeeze %dma_start3A_330 : memref<1x16xf32, #tpu.memory_space<hbm>> -> memref<16xf32, #tpu.memory_space<hbm>>
      %dma_start3A_332 = arith.constant 0 : i32
      %dma_start3A_333 = tpu.memref_slice %arg4[%reduce_sum3A_323, %dma_start3A_332] : memref<1000000x16xf32, #tpu.memory_space<hbm>> -> memref<1x16xf32, #tpu.memory_space<hbm>>
      %dma_start3A_334 = tpu.memref_squeeze %dma_start3A_333 : memref<1x16xf32, #tpu.memory_space<hbm>> -> memref<16xf32, #tpu.memory_space<hbm>>
      tpu.enqueue_dma source(%dma_start3A_334 : memref<16xf32, #tpu.memory_space<hbm>>) target(%dma_start3A_331 : memref<16xf32, #tpu.memory_space<hbm>>) target_semaphore(%arg9 : memref<!tpu.dma_semaphore, #tpu.memory_space<semaphore_mem>>)
      %eq3A_335 = arith.constant 15 : i32
      %eq3A_336 = vector.broadcast %eq3A_335 : i32 to vector<16xi32>
      %eq3A_337 = arith.cmpi eq, %iota3A, %eq3A_336 : vector<16xi32>
      %jit3A_338 = arith.constant 0 : i32
      %broadcast_in_dim3A_339 = vector.broadcast %jit3A_338 : i32 to vector<16xi32>
      %select_n3A_340 = arith.select %eq3A_337, %get3A_25, %broadcast_in_dim3A_339 : vector<16xi1>, vector<16xi32>
      %reduce_sum3A_341 = arith.constant true
      %reduce_sum3A_342 = vector.broadcast %reduce_sum3A_341 : i1 to vector<16xi1>
      %reduce_sum3A_343 = tpu.scan <sum>, %select_n3A_340 masked %reduce_sum3A_342 : vector<16xi32>, vector<16xi1> -> vector<16xi32>
      %reduce_sum3A_344 = vector.extract %reduce_sum3A_343[15] : i32 from vector<16xi32>
      %mul3A_345 = arith.constant 16 : i32
      %mul3A_346 = arith.muli %scan3A_22, %mul3A_345 : i32
      %add3A_347 = arith.addi %mul3A_2, %mul3A_346 : i32
      %add3A_348 = arith.constant 15 : i32
      %add3A_349 = arith.addi %add3A_347, %add3A_348 : i32
      %dma_start3A_350 = arith.constant 0 : i32
      %dma_start3A_351 = tpu.memref_slice %arg6[%add3A_349, %dma_start3A_350] : memref<16384x16xf32, #tpu.memory_space<hbm>> -> memref<1x16xf32, #tpu.memory_space<hbm>>
      %dma_start3A_352 = tpu.memref_squeeze %dma_start3A_351 : memref<1x16xf32, #tpu.memory_space<hbm>> -> memref<16xf32, #tpu.memory_space<hbm>>
      %dma_start3A_353 = arith.constant 0 : i32
      %dma_start3A_354 = tpu.memref_slice %arg4[%reduce_sum3A_344, %dma_start3A_353] : memref<1000000x16xf32, #tpu.memory_space<hbm>> -> memref<1x16xf32, #tpu.memory_space<hbm>>
      %dma_start3A_355 = tpu.memref_squeeze %dma_start3A_354 : memref<1x16xf32, #tpu.memory_space<hbm>> -> memref<16xf32, #tpu.memory_space<hbm>>
      tpu.enqueue_dma source(%dma_start3A_355 : memref<16xf32, #tpu.memory_space<hbm>>) target(%dma_start3A_352 : memref<16xf32, #tpu.memory_space<hbm>>) target_semaphore(%arg9 : memref<!tpu.dma_semaphore, #tpu.memory_space<semaphore_mem>>)
    }
    %scan3A_6 = arith.constant 32 : i32
    %dma_wait3A = arith.constant 0 : i32
    %dma_wait3A_7 = tpu.memref_slice %arg6[%mul3A_2, %dma_wait3A] : memref<16384x16xf32, #tpu.memory_space<hbm>> -> memref<512x16xf32, #tpu.memory_space<hbm>>
    %dma_wait3A_8 = arith.constant 0 : i32
    %dma_wait3A_9 = arith.constant 0 : i32
    %dma_wait3A_10 = tpu.memref_slice %arg4[%dma_wait3A_8, %dma_wait3A_9] : memref<1000000x16xf32, #tpu.memory_space<hbm>> -> memref<512x16xf32, #tpu.memory_space<hbm>>
    tpu.wait_dma2 semaphore(%arg9 : memref<!tpu.dma_semaphore, #tpu.memory_space<semaphore_mem>>) src(%dma_wait3A_10 : memref<512x16xf32, #tpu.memory_space<hbm>>) dst(%dma_wait3A_7 : memref<512x16xf32, #tpu.memory_space<hbm>>)
    "tpu.region"() ({
      %run_scoped3A = tpu.sem_alloc : memref<!tpu.dma_semaphore, #tpu.memory_space<semaphore_mem>>
      %dma_start3A = tpu.memref_slice %arg3[%mul3A_2] : memref<16384xi32, #tpu.memory_space<hbm>> -> memref<512xi32, #tpu.memory_space<hbm>>
      %dma_start3A_22 = tpu.memref_slice %arg3[%mul3A_2] : memref<16384xi32, #tpu.memory_space<hbm>> -> memref<512xi32, #tpu.memory_space<hbm>>
      tpu.enqueue_dma source(%dma_start3A_22 : memref<512xi32, #tpu.memory_space<hbm>>) target(%arg8 : memref<512xi32, #tpu.memory_space<vmem>>) target_semaphore(%run_scoped3A : memref<!tpu.dma_semaphore, #tpu.memory_space<semaphore_mem>>)
      %dma_wait3A_23 = tpu.memref_slice %arg3[%mul3A_2] : memref<16384xi32, #tpu.memory_space<hbm>> -> memref<512xi32, #tpu.memory_space<hbm>>
      %dma_wait3A_24 = tpu.memref_slice %arg3[%mul3A_2] : memref<16384xi32, #tpu.memory_space<hbm>> -> memref<512xi32, #tpu.memory_space<hbm>>
      tpu.wait_dma2 semaphore(%run_scoped3A : memref<!tpu.dma_semaphore, #tpu.memory_space<semaphore_mem>>) src(%dma_wait3A_24 : memref<512xi32, #tpu.memory_space<hbm>>) dst(%arg8 : memref<512xi32, #tpu.memory_space<vmem>>)
      tpu.yield
    }) : () -> ()
    %iota3A_11 = tpu.iota {dimensions = array<i32: 0>} : vector<16xi32>
    %scan3A_12 = arith.constant 0 : i32
    %scan3A_13 = arith.constant 32 : i32
    %scan3A_14 = arith.addi %scan3A_12, %scan3A_13 : i32
    %scan3A_15 = arith.constant 1 : i32
    scf.for %scan3A_22 = %scan3A_12 to %scan3A_14 step %scan3A_15  : i32 {
      %mul3A_23 = arith.constant 16 : i32
      %mul3A_24 = arith.muli %scan3A_22, %mul3A_23 : i32
      %get3A = arith.index_cast %mul3A_24 : i32 to index
      %get3A_25 = tpu.vector_load %arg8[%get3A] {strides = array<i32>} : memref<512xi32, #tpu.memory_space<vmem>>, vector<16xi32>,
      %eq3A = arith.constant 0 : i32
      %eq3A_26 = vector.broadcast %eq3A : i32 to vector<16xi32>
      %eq3A_27 = arith.cmpi eq, %iota3A_11, %eq3A_26 : vector<16xi32>
      %jit3A = arith.constant 0 : i32
      %broadcast_in_dim3A = vector.broadcast %jit3A : i32 to vector<16xi32>
      %select_n3A = arith.select %eq3A_27, %get3A_25, %broadcast_in_dim3A : vector<16xi1>, vector<16xi32>
      %reduce_sum3A = arith.constant true
      %reduce_sum3A_28 = vector.broadcast %reduce_sum3A : i1 to vector<16xi1>
      %reduce_sum3A_29 = tpu.scan <sum>, %select_n3A masked %reduce_sum3A_28 : vector<16xi32>, vector<16xi1> -> vector<16xi32>
      %reduce_sum3A_30 = vector.extract %reduce_sum3A_29[15] : i32 from vector<16xi32>
      %mul3A_31 = arith.constant 16 : i32
      %mul3A_32 = arith.muli %scan3A_22, %mul3A_31 : i32
      %add3A_33 = arith.addi %mul3A_2, %mul3A_32 : i32
      %add3A_34 = arith.constant 0 : i32
      %add3A_35 = arith.addi %add3A_33, %add3A_34 : i32
      %dma_start3A = arith.constant 0 : i32
      %dma_start3A_36 = tpu.memref_slice %arg7[%add3A_35, %dma_start3A] : memref<16384x16xf32, #tpu.memory_space<hbm>> -> memref<1x16xf32, #tpu.memory_space<hbm>>
      %dma_start3A_37 = tpu.memref_squeeze %dma_start3A_36 : memref<1x16xf32, #tpu.memory_space<hbm>> -> memref<16xf32, #tpu.memory_space<hbm>>
      %dma_start3A_38 = arith.constant 0 : i32
      %dma_start3A_39 = tpu.memref_slice %arg5[%reduce_sum3A_30, %dma_start3A_38] : memref<1000000x16xf32, #tpu.memory_space<hbm>> -> memref<1x16xf32, #tpu.memory_space<hbm>>
      %dma_start3A_40 = tpu.memref_squeeze %dma_start3A_39 : memref<1x16xf32, #tpu.memory_space<hbm>> -> memref<16xf32, #tpu.memory_space<hbm>>
      tpu.enqueue_dma source(%dma_start3A_40 : memref<16xf32, #tpu.memory_space<hbm>>) target(%dma_start3A_37 : memref<16xf32, #tpu.memory_space<hbm>>) target_semaphore(%arg10 : memref<!tpu.dma_semaphore, #tpu.memory_space<semaphore_mem>>)
      %eq3A_41 = arith.constant 1 : i32
      %eq3A_42 = vector.broadcast %eq3A_41 : i32 to vector<16xi32>
      %eq3A_43 = arith.cmpi eq, %iota3A_11, %eq3A_42 : vector<16xi32>
      %jit3A_44 = arith.constant 0 : i32
      %broadcast_in_dim3A_45 = vector.broadcast %jit3A_44 : i32 to vector<16xi32>
      %select_n3A_46 = arith.select %eq3A_43, %get3A_25, %broadcast_in_dim3A_45 : vector<16xi1>, vector<16xi32>
      %reduce_sum3A_47 = arith.constant true
      %reduce_sum3A_48 = vector.broadcast %reduce_sum3A_47 : i1 to vector<16xi1>
      %reduce_sum3A_49 = tpu.scan <sum>, %select_n3A_46 masked %reduce_sum3A_48 : vector<16xi32>, vector<16xi1> -> vector<16xi32>
      %reduce_sum3A_50 = vector.extract %reduce_sum3A_49[15] : i32 from vector<16xi32>
      %mul3A_51 = arith.constant 16 : i32
      %mul3A_52 = arith.muli %scan3A_22, %mul3A_51 : i32
      %add3A_53 = arith.addi %mul3A_2, %mul3A_52 : i32
      %add3A_54 = arith.constant 1 : i32
      %add3A_55 = arith.addi %add3A_53, %add3A_54 : i32
      %dma_start3A_56 = arith.constant 0 : i32
      %dma_start3A_57 = tpu.memref_slice %arg7[%add3A_55, %dma_start3A_56] : memref<16384x16xf32, #tpu.memory_space<hbm>> -> memref<1x16xf32, #tpu.memory_space<hbm>>
      %dma_start3A_58 = tpu.memref_squeeze %dma_start3A_57 : memref<1x16xf32, #tpu.memory_space<hbm>> -> memref<16xf32, #tpu.memory_space<hbm>>
      %dma_start3A_59 = arith.constant 0 : i32
      %dma_start3A_60 = tpu.memref_slice %arg5[%reduce_sum3A_50, %dma_start3A_59] : memref<1000000x16xf32, #tpu.memory_space<hbm>> -> memref<1x16xf32, #tpu.memory_space<hbm>>
      %dma_start3A_61 = tpu.memref_squeeze %dma_start3A_60 : memref<1x16xf32, #tpu.memory_space<hbm>> -> memref<16xf32, #tpu.memory_space<hbm>>
      tpu.enqueue_dma source(%dma_start3A_61 : memref<16xf32, #tpu.memory_space<hbm>>) target(%dma_start3A_58 : memref<16xf32, #tpu.memory_space<hbm>>) target_semaphore(%arg10 : memref<!tpu.dma_semaphore, #tpu.memory_space<semaphore_mem>>)
      %eq3A_62 = arith.constant 2 : i32
      %eq3A_63 = vector.broadcast %eq3A_62 : i32 to vector<16xi32>
      %eq3A_64 = arith.cmpi eq, %iota3A_11, %eq3A_63 : vector<16xi32>
      %jit3A_65 = arith.constant 0 : i32
      %broadcast_in_dim3A_66 = vector.broadcast %jit3A_65 : i32 to vector<16xi32>
      %select_n3A_67 = arith.select %eq3A_64, %get3A_25, %broadcast_in_dim3A_66 : vector<16xi1>, vector<16xi32>
      %reduce_sum3A_68 = arith.constant true
      %reduce_sum3A_69 = vector.broadcast %reduce_sum3A_68 : i1 to vector<16xi1>
      %reduce_sum3A_70 = tpu.scan <sum>, %select_n3A_67 masked %reduce_sum3A_69 : vector<16xi32>, vector<16xi1> -> vector<16xi32>
      %reduce_sum3A_71 = vector.extract %reduce_sum3A_70[15] : i32 from vector<16xi32>
      %mul3A_72 = arith.constant 16 : i32
      %mul3A_73 = arith.muli %scan3A_22, %mul3A_72 : i32
      %add3A_74 = arith.addi %mul3A_2, %mul3A_73 : i32
      %add3A_75 = arith.constant 2 : i32
      %add3A_76 = arith.addi %add3A_74, %add3A_75 : i32
      %dma_start3A_77 = arith.constant 0 : i32
      %dma_start3A_78 = tpu.memref_slice %arg7[%add3A_76, %dma_start3A_77] : memref<16384x16xf32, #tpu.memory_space<hbm>> -> memref<1x16xf32, #tpu.memory_space<hbm>>
      %dma_start3A_79 = tpu.memref_squeeze %dma_start3A_78 : memref<1x16xf32, #tpu.memory_space<hbm>> -> memref<16xf32, #tpu.memory_space<hbm>>
      %dma_start3A_80 = arith.constant 0 : i32
      %dma_start3A_81 = tpu.memref_slice %arg5[%reduce_sum3A_71, %dma_start3A_80] : memref<1000000x16xf32, #tpu.memory_space<hbm>> -> memref<1x16xf32, #tpu.memory_space<hbm>>
      %dma_start3A_82 = tpu.memref_squeeze %dma_start3A_81 : memref<1x16xf32, #tpu.memory_space<hbm>> -> memref<16xf32, #tpu.memory_space<hbm>>
      tpu.enqueue_dma source(%dma_start3A_82 : memref<16xf32, #tpu.memory_space<hbm>>) target(%dma_start3A_79 : memref<16xf32, #tpu.memory_space<hbm>>) target_semaphore(%arg10 : memref<!tpu.dma_semaphore, #tpu.memory_space<semaphore_mem>>)
      %eq3A_83 = arith.constant 3 : i32
      %eq3A_84 = vector.broadcast %eq3A_83 : i32 to vector<16xi32>
      %eq3A_85 = arith.cmpi eq, %iota3A_11, %eq3A_84 : vector<16xi32>
      %jit3A_86 = arith.constant 0 : i32
      %broadcast_in_dim3A_87 = vector.broadcast %jit3A_86 : i32 to vector<16xi32>
      %select_n3A_88 = arith.select %eq3A_85, %get3A_25, %broadcast_in_dim3A_87 : vector<16xi1>, vector<16xi32>
      %reduce_sum3A_89 = arith.constant true
      %reduce_sum3A_90 = vector.broadcast %reduce_sum3A_89 : i1 to vector<16xi1>
      %reduce_sum3A_91 = tpu.scan <sum>, %select_n3A_88 masked %reduce_sum3A_90 : vector<16xi32>, vector<16xi1> -> vector<16xi32>
      %reduce_sum3A_92 = vector.extract %reduce_sum3A_91[15] : i32 from vector<16xi32>
      %mul3A_93 = arith.constant 16 : i32
      %mul3A_94 = arith.muli %scan3A_22, %mul3A_93 : i32
      %add3A_95 = arith.addi %mul3A_2, %mul3A_94 : i32
      %add3A_96 = arith.constant 3 : i32
      %add3A_97 = arith.addi %add3A_95, %add3A_96 : i32
      %dma_start3A_98 = arith.constant 0 : i32
      %dma_start3A_99 = tpu.memref_slice %arg7[%add3A_97, %dma_start3A_98] : memref<16384x16xf32, #tpu.memory_space<hbm>> -> memref<1x16xf32, #tpu.memory_space<hbm>>
      %dma_start3A_100 = tpu.memref_squeeze %dma_start3A_99 : memref<1x16xf32, #tpu.memory_space<hbm>> -> memref<16xf32, #tpu.memory_space<hbm>>
      %dma_start3A_101 = arith.constant 0 : i32
      %dma_start3A_102 = tpu.memref_slice %arg5[%reduce_sum3A_92, %dma_start3A_101] : memref<1000000x16xf32, #tpu.memory_space<hbm>> -> memref<1x16xf32, #tpu.memory_space<hbm>>
      %dma_start3A_103 = tpu.memref_squeeze %dma_start3A_102 : memref<1x16xf32, #tpu.memory_space<hbm>> -> memref<16xf32, #tpu.memory_space<hbm>>
      tpu.enqueue_dma source(%dma_start3A_103 : memref<16xf32, #tpu.memory_space<hbm>>) target(%dma_start3A_100 : memref<16xf32, #tpu.memory_space<hbm>>) target_semaphore(%arg10 : memref<!tpu.dma_semaphore, #tpu.memory_space<semaphore_mem>>)
      %eq3A_104 = arith.constant 4 : i32
      %eq3A_105 = vector.broadcast %eq3A_104 : i32 to vector<16xi32>
      %eq3A_106 = arith.cmpi eq, %iota3A_11, %eq3A_105 : vector<16xi32>
      %jit3A_107 = arith.constant 0 : i32
      %broadcast_in_dim3A_108 = vector.broadcast %jit3A_107 : i32 to vector<16xi32>
      %select_n3A_109 = arith.select %eq3A_106, %get3A_25, %broadcast_in_dim3A_108 : vector<16xi1>, vector<16xi32>
      %reduce_sum3A_110 = arith.constant true
      %reduce_sum3A_111 = vector.broadcast %reduce_sum3A_110 : i1 to vector<16xi1>
      %reduce_sum3A_112 = tpu.scan <sum>, %select_n3A_109 masked %reduce_sum3A_111 : vector<16xi32>, vector<16xi1> -> vector<16xi32>
      %reduce_sum3A_113 = vector.extract %reduce_sum3A_112[15] : i32 from vector<16xi32>
      %mul3A_114 = arith.constant 16 : i32
      %mul3A_115 = arith.muli %scan3A_22, %mul3A_114 : i32
      %add3A_116 = arith.addi %mul3A_2, %mul3A_115 : i32
      %add3A_117 = arith.constant 4 : i32
      %add3A_118 = arith.addi %add3A_116, %add3A_117 : i32
      %dma_start3A_119 = arith.constant 0 : i32
      %dma_start3A_120 = tpu.memref_slice %arg7[%add3A_118, %dma_start3A_119] : memref<16384x16xf32, #tpu.memory_space<hbm>> -> memref<1x16xf32, #tpu.memory_space<hbm>>
      %dma_start3A_121 = tpu.memref_squeeze %dma_start3A_120 : memref<1x16xf32, #tpu.memory_space<hbm>> -> memref<16xf32, #tpu.memory_space<hbm>>
      %dma_start3A_122 = arith.constant 0 : i32
      %dma_start3A_123 = tpu.memref_slice %arg5[%reduce_sum3A_113, %dma_start3A_122] : memref<1000000x16xf32, #tpu.memory_space<hbm>> -> memref<1x16xf32, #tpu.memory_space<hbm>>
      %dma_start3A_124 = tpu.memref_squeeze %dma_start3A_123 : memref<1x16xf32, #tpu.memory_space<hbm>> -> memref<16xf32, #tpu.memory_space<hbm>>
      tpu.enqueue_dma source(%dma_start3A_124 : memref<16xf32, #tpu.memory_space<hbm>>) target(%dma_start3A_121 : memref<16xf32, #tpu.memory_space<hbm>>) target_semaphore(%arg10 : memref<!tpu.dma_semaphore, #tpu.memory_space<semaphore_mem>>)
      %eq3A_125 = arith.constant 5 : i32
      %eq3A_126 = vector.broadcast %eq3A_125 : i32 to vector<16xi32>
      %eq3A_127 = arith.cmpi eq, %iota3A_11, %eq3A_126 : vector<16xi32>
      %jit3A_128 = arith.constant 0 : i32
      %broadcast_in_dim3A_129 = vector.broadcast %jit3A_128 : i32 to vector<16xi32>
      %select_n3A_130 = arith.select %eq3A_127, %get3A_25, %broadcast_in_dim3A_129 : vector<16xi1>, vector<16xi32>
      %reduce_sum3A_131 = arith.constant true
      %reduce_sum3A_132 = vector.broadcast %reduce_sum3A_131 : i1 to vector<16xi1>
      %reduce_sum3A_133 = tpu.scan <sum>, %select_n3A_130 masked %reduce_sum3A_132 : vector<16xi32>, vector<16xi1> -> vector<16xi32>
      %reduce_sum3A_134 = vector.extract %reduce_sum3A_133[15] : i32 from vector<16xi32>
      %mul3A_135 = arith.constant 16 : i32
      %mul3A_136 = arith.muli %scan3A_22, %mul3A_135 : i32
      %add3A_137 = arith.addi %mul3A_2, %mul3A_136 : i32
      %add3A_138 = arith.constant 5 : i32
      %add3A_139 = arith.addi %add3A_137, %add3A_138 : i32
      %dma_start3A_140 = arith.constant 0 : i32
      %dma_start3A_141 = tpu.memref_slice %arg7[%add3A_139, %dma_start3A_140] : memref<16384x16xf32, #tpu.memory_space<hbm>> -> memref<1x16xf32, #tpu.memory_space<hbm>>
      %dma_start3A_142 = tpu.memref_squeeze %dma_start3A_141 : memref<1x16xf32, #tpu.memory_space<hbm>> -> memref<16xf32, #tpu.memory_space<hbm>>
      %dma_start3A_143 = arith.constant 0 : i32
      %dma_start3A_144 = tpu.memref_slice %arg5[%reduce_sum3A_134, %dma_start3A_143] : memref<1000000x16xf32, #tpu.memory_space<hbm>> -> memref<1x16xf32, #tpu.memory_space<hbm>>
      %dma_start3A_145 = tpu.memref_squeeze %dma_start3A_144 : memref<1x16xf32, #tpu.memory_space<hbm>> -> memref<16xf32, #tpu.memory_space<hbm>>
      tpu.enqueue_dma source(%dma_start3A_145 : memref<16xf32, #tpu.memory_space<hbm>>) target(%dma_start3A_142 : memref<16xf32, #tpu.memory_space<hbm>>) target_semaphore(%arg10 : memref<!tpu.dma_semaphore, #tpu.memory_space<semaphore_mem>>)
      %eq3A_146 = arith.constant 6 : i32
      %eq3A_147 = vector.broadcast %eq3A_146 : i32 to vector<16xi32>
      %eq3A_148 = arith.cmpi eq, %iota3A_11, %eq3A_147 : vector<16xi32>
      %jit3A_149 = arith.constant 0 : i32
      %broadcast_in_dim3A_150 = vector.broadcast %jit3A_149 : i32 to vector<16xi32>
      %select_n3A_151 = arith.select %eq3A_148, %get3A_25, %broadcast_in_dim3A_150 : vector<16xi1>, vector<16xi32>
      %reduce_sum3A_152 = arith.constant true
      %reduce_sum3A_153 = vector.broadcast %reduce_sum3A_152 : i1 to vector<16xi1>
      %reduce_sum3A_154 = tpu.scan <sum>, %select_n3A_151 masked %reduce_sum3A_153 : vector<16xi32>, vector<16xi1> -> vector<16xi32>
      %reduce_sum3A_155 = vector.extract %reduce_sum3A_154[15] : i32 from vector<16xi32>
      %mul3A_156 = arith.constant 16 : i32
      %mul3A_157 = arith.muli %scan3A_22, %mul3A_156 : i32
      %add3A_158 = arith.addi %mul3A_2, %mul3A_157 : i32
      %add3A_159 = arith.constant 6 : i32
      %add3A_160 = arith.addi %add3A_158, %add3A_159 : i32
      %dma_start3A_161 = arith.constant 0 : i32
      %dma_start3A_162 = tpu.memref_slice %arg7[%add3A_160, %dma_start3A_161] : memref<16384x16xf32, #tpu.memory_space<hbm>> -> memref<1x16xf32, #tpu.memory_space<hbm>>
      %dma_start3A_163 = tpu.memref_squeeze %dma_start3A_162 : memref<1x16xf32, #tpu.memory_space<hbm>> -> memref<16xf32, #tpu.memory_space<hbm>>
      %dma_start3A_164 = arith.constant 0 : i32
      %dma_start3A_165 = tpu.memref_slice %arg5[%reduce_sum3A_155, %dma_start3A_164] : memref<1000000x16xf32, #tpu.memory_space<hbm>> -> memref<1x16xf32, #tpu.memory_space<hbm>>
      %dma_start3A_166 = tpu.memref_squeeze %dma_start3A_165 : memref<1x16xf32, #tpu.memory_space<hbm>> -> memref<16xf32, #tpu.memory_space<hbm>>
      tpu.enqueue_dma source(%dma_start3A_166 : memref<16xf32, #tpu.memory_space<hbm>>) target(%dma_start3A_163 : memref<16xf32, #tpu.memory_space<hbm>>) target_semaphore(%arg10 : memref<!tpu.dma_semaphore, #tpu.memory_space<semaphore_mem>>)
      %eq3A_167 = arith.constant 7 : i32
      %eq3A_168 = vector.broadcast %eq3A_167 : i32 to vector<16xi32>
      %eq3A_169 = arith.cmpi eq, %iota3A_11, %eq3A_168 : vector<16xi32>
      %jit3A_170 = arith.constant 0 : i32
      %broadcast_in_dim3A_171 = vector.broadcast %jit3A_170 : i32 to vector<16xi32>
      %select_n3A_172 = arith.select %eq3A_169, %get3A_25, %broadcast_in_dim3A_171 : vector<16xi1>, vector<16xi32>
      %reduce_sum3A_173 = arith.constant true
      %reduce_sum3A_174 = vector.broadcast %reduce_sum3A_173 : i1 to vector<16xi1>
      %reduce_sum3A_175 = tpu.scan <sum>, %select_n3A_172 masked %reduce_sum3A_174 : vector<16xi32>, vector<16xi1> -> vector<16xi32>
      %reduce_sum3A_176 = vector.extract %reduce_sum3A_175[15] : i32 from vector<16xi32>
      %mul3A_177 = arith.constant 16 : i32
      %mul3A_178 = arith.muli %scan3A_22, %mul3A_177 : i32
      %add3A_179 = arith.addi %mul3A_2, %mul3A_178 : i32
      %add3A_180 = arith.constant 7 : i32
      %add3A_181 = arith.addi %add3A_179, %add3A_180 : i32
      %dma_start3A_182 = arith.constant 0 : i32
      %dma_start3A_183 = tpu.memref_slice %arg7[%add3A_181, %dma_start3A_182] : memref<16384x16xf32, #tpu.memory_space<hbm>> -> memref<1x16xf32, #tpu.memory_space<hbm>>
      %dma_start3A_184 = tpu.memref_squeeze %dma_start3A_183 : memref<1x16xf32, #tpu.memory_space<hbm>> -> memref<16xf32, #tpu.memory_space<hbm>>
      %dma_start3A_185 = arith.constant 0 : i32
      %dma_start3A_186 = tpu.memref_slice %arg5[%reduce_sum3A_176, %dma_start3A_185] : memref<1000000x16xf32, #tpu.memory_space<hbm>> -> memref<1x16xf32, #tpu.memory_space<hbm>>
      %dma_start3A_187 = tpu.memref_squeeze %dma_start3A_186 : memref<1x16xf32, #tpu.memory_space<hbm>> -> memref<16xf32, #tpu.memory_space<hbm>>
      tpu.enqueue_dma source(%dma_start3A_187 : memref<16xf32, #tpu.memory_space<hbm>>) target(%dma_start3A_184 : memref<16xf32, #tpu.memory_space<hbm>>) target_semaphore(%arg10 : memref<!tpu.dma_semaphore, #tpu.memory_space<semaphore_mem>>)
      %eq3A_188 = arith.constant 8 : i32
      %eq3A_189 = vector.broadcast %eq3A_188 : i32 to vector<16xi32>
      %eq3A_190 = arith.cmpi eq, %iota3A_11, %eq3A_189 : vector<16xi32>
      %jit3A_191 = arith.constant 0 : i32
      %broadcast_in_dim3A_192 = vector.broadcast %jit3A_191 : i32 to vector<16xi32>
      %select_n3A_193 = arith.select %eq3A_190, %get3A_25, %broadcast_in_dim3A_192 : vector<16xi1>, vector<16xi32>
      %reduce_sum3A_194 = arith.constant true
      %reduce_sum3A_195 = vector.broadcast %reduce_sum3A_194 : i1 to vector<16xi1>
      %reduce_sum3A_196 = tpu.scan <sum>, %select_n3A_193 masked %reduce_sum3A_195 : vector<16xi32>, vector<16xi1> -> vector<16xi32>
      %reduce_sum3A_197 = vector.extract %reduce_sum3A_196[15] : i32 from vector<16xi32>
      %mul3A_198 = arith.constant 16 : i32
      %mul3A_199 = arith.muli %scan3A_22, %mul3A_198 : i32
      %add3A_200 = arith.addi %mul3A_2, %mul3A_199 : i32
      %add3A_201 = arith.constant 8 : i32
      %add3A_202 = arith.addi %add3A_200, %add3A_201 : i32
      %dma_start3A_203 = arith.constant 0 : i32
      %dma_start3A_204 = tpu.memref_slice %arg7[%add3A_202, %dma_start3A_203] : memref<16384x16xf32, #tpu.memory_space<hbm>> -> memref<1x16xf32, #tpu.memory_space<hbm>>
      %dma_start3A_205 = tpu.memref_squeeze %dma_start3A_204 : memref<1x16xf32, #tpu.memory_space<hbm>> -> memref<16xf32, #tpu.memory_space<hbm>>
      %dma_start3A_206 = arith.constant 0 : i32
      %dma_start3A_207 = tpu.memref_slice %arg5[%reduce_sum3A_197, %dma_start3A_206] : memref<1000000x16xf32, #tpu.memory_space<hbm>> -> memref<1x16xf32, #tpu.memory_space<hbm>>
      %dma_start3A_208 = tpu.memref_squeeze %dma_start3A_207 : memref<1x16xf32, #tpu.memory_space<hbm>> -> memref<16xf32, #tpu.memory_space<hbm>>
      tpu.enqueue_dma source(%dma_start3A_208 : memref<16xf32, #tpu.memory_space<hbm>>) target(%dma_start3A_205 : memref<16xf32, #tpu.memory_space<hbm>>) target_semaphore(%arg10 : memref<!tpu.dma_semaphore, #tpu.memory_space<semaphore_mem>>)
      %eq3A_209 = arith.constant 9 : i32
      %eq3A_210 = vector.broadcast %eq3A_209 : i32 to vector<16xi32>
      %eq3A_211 = arith.cmpi eq, %iota3A_11, %eq3A_210 : vector<16xi32>
      %jit3A_212 = arith.constant 0 : i32
      %broadcast_in_dim3A_213 = vector.broadcast %jit3A_212 : i32 to vector<16xi32>
      %select_n3A_214 = arith.select %eq3A_211, %get3A_25, %broadcast_in_dim3A_213 : vector<16xi1>, vector<16xi32>
      %reduce_sum3A_215 = arith.constant true
      %reduce_sum3A_216 = vector.broadcast %reduce_sum3A_215 : i1 to vector<16xi1>
      %reduce_sum3A_217 = tpu.scan <sum>, %select_n3A_214 masked %reduce_sum3A_216 : vector<16xi32>, vector<16xi1> -> vector<16xi32>
      %reduce_sum3A_218 = vector.extract %reduce_sum3A_217[15] : i32 from vector<16xi32>
      %mul3A_219 = arith.constant 16 : i32
      %mul3A_220 = arith.muli %scan3A_22, %mul3A_219 : i32
      %add3A_221 = arith.addi %mul3A_2, %mul3A_220 : i32
      %add3A_222 = arith.constant 9 : i32
      %add3A_223 = arith.addi %add3A_221, %add3A_222 : i32
      %dma_start3A_224 = arith.constant 0 : i32
      %dma_start3A_225 = tpu.memref_slice %arg7[%add3A_223, %dma_start3A_224] : memref<16384x16xf32, #tpu.memory_space<hbm>> -> memref<1x16xf32, #tpu.memory_space<hbm>>
      %dma_start3A_226 = tpu.memref_squeeze %dma_start3A_225 : memref<1x16xf32, #tpu.memory_space<hbm>> -> memref<16xf32, #tpu.memory_space<hbm>>
      %dma_start3A_227 = arith.constant 0 : i32
      %dma_start3A_228 = tpu.memref_slice %arg5[%reduce_sum3A_218, %dma_start3A_227] : memref<1000000x16xf32, #tpu.memory_space<hbm>> -> memref<1x16xf32, #tpu.memory_space<hbm>>
      %dma_start3A_229 = tpu.memref_squeeze %dma_start3A_228 : memref<1x16xf32, #tpu.memory_space<hbm>> -> memref<16xf32, #tpu.memory_space<hbm>>
      tpu.enqueue_dma source(%dma_start3A_229 : memref<16xf32, #tpu.memory_space<hbm>>) target(%dma_start3A_226 : memref<16xf32, #tpu.memory_space<hbm>>) target_semaphore(%arg10 : memref<!tpu.dma_semaphore, #tpu.memory_space<semaphore_mem>>)
      %eq3A_230 = arith.constant 10 : i32
      %eq3A_231 = vector.broadcast %eq3A_230 : i32 to vector<16xi32>
      %eq3A_232 = arith.cmpi eq, %iota3A_11, %eq3A_231 : vector<16xi32>
      %jit3A_233 = arith.constant 0 : i32
      %broadcast_in_dim3A_234 = vector.broadcast %jit3A_233 : i32 to vector<16xi32>
      %select_n3A_235 = arith.select %eq3A_232, %get3A_25, %broadcast_in_dim3A_234 : vector<16xi1>, vector<16xi32>
      %reduce_sum3A_236 = arith.constant true
      %reduce_sum3A_237 = vector.broadcast %reduce_sum3A_236 : i1 to vector<16xi1>
      %reduce_sum3A_238 = tpu.scan <sum>, %select_n3A_235 masked %reduce_sum3A_237 : vector<16xi32>, vector<16xi1> -> vector<16xi32>
      %reduce_sum3A_239 = vector.extract %reduce_sum3A_238[15] : i32 from vector<16xi32>
      %mul3A_240 = arith.constant 16 : i32
      %mul3A_241 = arith.muli %scan3A_22, %mul3A_240 : i32
      %add3A_242 = arith.addi %mul3A_2, %mul3A_241 : i32
      %add3A_243 = arith.constant 10 : i32
      %add3A_244 = arith.addi %add3A_242, %add3A_243 : i32
      %dma_start3A_245 = arith.constant 0 : i32
      %dma_start3A_246 = tpu.memref_slice %arg7[%add3A_244, %dma_start3A_245] : memref<16384x16xf32, #tpu.memory_space<hbm>> -> memref<1x16xf32, #tpu.memory_space<hbm>>
      %dma_start3A_247 = tpu.memref_squeeze %dma_start3A_246 : memref<1x16xf32, #tpu.memory_space<hbm>> -> memref<16xf32, #tpu.memory_space<hbm>>
      %dma_start3A_248 = arith.constant 0 : i32
      %dma_start3A_249 = tpu.memref_slice %arg5[%reduce_sum3A_239, %dma_start3A_248] : memref<1000000x16xf32, #tpu.memory_space<hbm>> -> memref<1x16xf32, #tpu.memory_space<hbm>>
      %dma_start3A_250 = tpu.memref_squeeze %dma_start3A_249 : memref<1x16xf32, #tpu.memory_space<hbm>> -> memref<16xf32, #tpu.memory_space<hbm>>
      tpu.enqueue_dma source(%dma_start3A_250 : memref<16xf32, #tpu.memory_space<hbm>>) target(%dma_start3A_247 : memref<16xf32, #tpu.memory_space<hbm>>) target_semaphore(%arg10 : memref<!tpu.dma_semaphore, #tpu.memory_space<semaphore_mem>>)
      %eq3A_251 = arith.constant 11 : i32
      %eq3A_252 = vector.broadcast %eq3A_251 : i32 to vector<16xi32>
      %eq3A_253 = arith.cmpi eq, %iota3A_11, %eq3A_252 : vector<16xi32>
      %jit3A_254 = arith.constant 0 : i32
      %broadcast_in_dim3A_255 = vector.broadcast %jit3A_254 : i32 to vector<16xi32>
      %select_n3A_256 = arith.select %eq3A_253, %get3A_25, %broadcast_in_dim3A_255 : vector<16xi1>, vector<16xi32>
      %reduce_sum3A_257 = arith.constant true
      %reduce_sum3A_258 = vector.broadcast %reduce_sum3A_257 : i1 to vector<16xi1>
      %reduce_sum3A_259 = tpu.scan <sum>, %select_n3A_256 masked %reduce_sum3A_258 : vector<16xi32>, vector<16xi1> -> vector<16xi32>
      %reduce_sum3A_260 = vector.extract %reduce_sum3A_259[15] : i32 from vector<16xi32>
      %mul3A_261 = arith.constant 16 : i32
      %mul3A_262 = arith.muli %scan3A_22, %mul3A_261 : i32
      %add3A_263 = arith.addi %mul3A_2, %mul3A_262 : i32
      %add3A_264 = arith.constant 11 : i32
      %add3A_265 = arith.addi %add3A_263, %add3A_264 : i32
      %dma_start3A_266 = arith.constant 0 : i32
      %dma_start3A_267 = tpu.memref_slice %arg7[%add3A_265, %dma_start3A_266] : memref<16384x16xf32, #tpu.memory_space<hbm>> -> memref<1x16xf32, #tpu.memory_space<hbm>>
      %dma_start3A_268 = tpu.memref_squeeze %dma_start3A_267 : memref<1x16xf32, #tpu.memory_space<hbm>> -> memref<16xf32, #tpu.memory_space<hbm>>
      %dma_start3A_269 = arith.constant 0 : i32
      %dma_start3A_270 = tpu.memref_slice %arg5[%reduce_sum3A_260, %dma_start3A_269] : memref<1000000x16xf32, #tpu.memory_space<hbm>> -> memref<1x16xf32, #tpu.memory_space<hbm>>
      %dma_start3A_271 = tpu.memref_squeeze %dma_start3A_270 : memref<1x16xf32, #tpu.memory_space<hbm>> -> memref<16xf32, #tpu.memory_space<hbm>>
      tpu.enqueue_dma source(%dma_start3A_271 : memref<16xf32, #tpu.memory_space<hbm>>) target(%dma_start3A_268 : memref<16xf32, #tpu.memory_space<hbm>>) target_semaphore(%arg10 : memref<!tpu.dma_semaphore, #tpu.memory_space<semaphore_mem>>)
      %eq3A_272 = arith.constant 12 : i32
      %eq3A_273 = vector.broadcast %eq3A_272 : i32 to vector<16xi32>
      %eq3A_274 = arith.cmpi eq, %iota3A_11, %eq3A_273 : vector<16xi32>
      %jit3A_275 = arith.constant 0 : i32
      %broadcast_in_dim3A_276 = vector.broadcast %jit3A_275 : i32 to vector<16xi32>
      %select_n3A_277 = arith.select %eq3A_274, %get3A_25, %broadcast_in_dim3A_276 : vector<16xi1>, vector<16xi32>
      %reduce_sum3A_278 = arith.constant true
      %reduce_sum3A_279 = vector.broadcast %reduce_sum3A_278 : i1 to vector<16xi1>
      %reduce_sum3A_280 = tpu.scan <sum>, %select_n3A_277 masked %reduce_sum3A_279 : vector<16xi32>, vector<16xi1> -> vector<16xi32>
      %reduce_sum3A_281 = vector.extract %reduce_sum3A_280[15] : i32 from vector<16xi32>
      %mul3A_282 = arith.constant 16 : i32
      %mul3A_283 = arith.muli %scan3A_22, %mul3A_282 : i32
      %add3A_284 = arith.addi %mul3A_2, %mul3A_283 : i32
      %add3A_285 = arith.constant 12 : i32
      %add3A_286 = arith.addi %add3A_284, %add3A_285 : i32
      %dma_start3A_287 = arith.constant 0 : i32
      %dma_start3A_288 = tpu.memref_slice %arg7[%add3A_286, %dma_start3A_287] : memref<16384x16xf32, #tpu.memory_space<hbm>> -> memref<1x16xf32, #tpu.memory_space<hbm>>
      %dma_start3A_289 = tpu.memref_squeeze %dma_start3A_288 : memref<1x16xf32, #tpu.memory_space<hbm>> -> memref<16xf32, #tpu.memory_space<hbm>>
      %dma_start3A_290 = arith.constant 0 : i32
      %dma_start3A_291 = tpu.memref_slice %arg5[%reduce_sum3A_281, %dma_start3A_290] : memref<1000000x16xf32, #tpu.memory_space<hbm>> -> memref<1x16xf32, #tpu.memory_space<hbm>>
      %dma_start3A_292 = tpu.memref_squeeze %dma_start3A_291 : memref<1x16xf32, #tpu.memory_space<hbm>> -> memref<16xf32, #tpu.memory_space<hbm>>
      tpu.enqueue_dma source(%dma_start3A_292 : memref<16xf32, #tpu.memory_space<hbm>>) target(%dma_start3A_289 : memref<16xf32, #tpu.memory_space<hbm>>) target_semaphore(%arg10 : memref<!tpu.dma_semaphore, #tpu.memory_space<semaphore_mem>>)
      %eq3A_293 = arith.constant 13 : i32
      %eq3A_294 = vector.broadcast %eq3A_293 : i32 to vector<16xi32>
      %eq3A_295 = arith.cmpi eq, %iota3A_11, %eq3A_294 : vector<16xi32>
      %jit3A_296 = arith.constant 0 : i32
      %broadcast_in_dim3A_297 = vector.broadcast %jit3A_296 : i32 to vector<16xi32>
      %select_n3A_298 = arith.select %eq3A_295, %get3A_25, %broadcast_in_dim3A_297 : vector<16xi1>, vector<16xi32>
      %reduce_sum3A_299 = arith.constant true
      %reduce_sum3A_300 = vector.broadcast %reduce_sum3A_299 : i1 to vector<16xi1>
      %reduce_sum3A_301 = tpu.scan <sum>, %select_n3A_298 masked %reduce_sum3A_300 : vector<16xi32>, vector<16xi1> -> vector<16xi32>
      %reduce_sum3A_302 = vector.extract %reduce_sum3A_301[15] : i32 from vector<16xi32>
      %mul3A_303 = arith.constant 16 : i32
      %mul3A_304 = arith.muli %scan3A_22, %mul3A_303 : i32
      %add3A_305 = arith.addi %mul3A_2, %mul3A_304 : i32
      %add3A_306 = arith.constant 13 : i32
      %add3A_307 = arith.addi %add3A_305, %add3A_306 : i32
      %dma_start3A_308 = arith.constant 0 : i32
      %dma_start3A_309 = tpu.memref_slice %arg7[%add3A_307, %dma_start3A_308] : memref<16384x16xf32, #tpu.memory_space<hbm>> -> memref<1x16xf32, #tpu.memory_space<hbm>>
      %dma_start3A_310 = tpu.memref_squeeze %dma_start3A_309 : memref<1x16xf32, #tpu.memory_space<hbm>> -> memref<16xf32, #tpu.memory_space<hbm>>
      %dma_start3A_311 = arith.constant 0 : i32
      %dma_start3A_312 = tpu.memref_slice %arg5[%reduce_sum3A_302, %dma_start3A_311] : memref<1000000x16xf32, #tpu.memory_space<hbm>> -> memref<1x16xf32, #tpu.memory_space<hbm>>
      %dma_start3A_313 = tpu.memref_squeeze %dma_start3A_312 : memref<1x16xf32, #tpu.memory_space<hbm>> -> memref<16xf32, #tpu.memory_space<hbm>>
      tpu.enqueue_dma source(%dma_start3A_313 : memref<16xf32, #tpu.memory_space<hbm>>) target(%dma_start3A_310 : memref<16xf32, #tpu.memory_space<hbm>>) target_semaphore(%arg10 : memref<!tpu.dma_semaphore, #tpu.memory_space<semaphore_mem>>)
      %eq3A_314 = arith.constant 14 : i32
      %eq3A_315 = vector.broadcast %eq3A_314 : i32 to vector<16xi32>
      %eq3A_316 = arith.cmpi eq, %iota3A_11, %eq3A_315 : vector<16xi32>
      %jit3A_317 = arith.constant 0 : i32
      %broadcast_in_dim3A_318 = vector.broadcast %jit3A_317 : i32 to vector<16xi32>
      %select_n3A_319 = arith.select %eq3A_316, %get3A_25, %broadcast_in_dim3A_318 : vector<16xi1>, vector<16xi32>
      %reduce_sum3A_320 = arith.constant true
      %reduce_sum3A_321 = vector.broadcast %reduce_sum3A_320 : i1 to vector<16xi1>
      %reduce_sum3A_322 = tpu.scan <sum>, %select_n3A_319 masked %reduce_sum3A_321 : vector<16xi32>, vector<16xi1> -> vector<16xi32>
      %reduce_sum3A_323 = vector.extract %reduce_sum3A_322[15] : i32 from vector<16xi32>
      %mul3A_324 = arith.constant 16 : i32
      %mul3A_325 = arith.muli %scan3A_22, %mul3A_324 : i32
      %add3A_326 = arith.addi %mul3A_2, %mul3A_325 : i32
      %add3A_327 = arith.constant 14 : i32
      %add3A_328 = arith.addi %add3A_326, %add3A_327 : i32
      %dma_start3A_329 = arith.constant 0 : i32
      %dma_start3A_330 = tpu.memref_slice %arg7[%add3A_328, %dma_start3A_329] : memref<16384x16xf32, #tpu.memory_space<hbm>> -> memref<1x16xf32, #tpu.memory_space<hbm>>
      %dma_start3A_331 = tpu.memref_squeeze %dma_start3A_330 : memref<1x16xf32, #tpu.memory_space<hbm>> -> memref<16xf32, #tpu.memory_space<hbm>>
      %dma_start3A_332 = arith.constant 0 : i32
      %dma_start3A_333 = tpu.memref_slice %arg5[%reduce_sum3A_323, %dma_start3A_332] : memref<1000000x16xf32, #tpu.memory_space<hbm>> -> memref<1x16xf32, #tpu.memory_space<hbm>>
      %dma_start3A_334 = tpu.memref_squeeze %dma_start3A_333 : memref<1x16xf32, #tpu.memory_space<hbm>> -> memref<16xf32, #tpu.memory_space<hbm>>
      tpu.enqueue_dma source(%dma_start3A_334 : memref<16xf32, #tpu.memory_space<hbm>>) target(%dma_start3A_331 : memref<16xf32, #tpu.memory_space<hbm>>) target_semaphore(%arg10 : memref<!tpu.dma_semaphore, #tpu.memory_space<semaphore_mem>>)
      %eq3A_335 = arith.constant 15 : i32
      %eq3A_336 = vector.broadcast %eq3A_335 : i32 to vector<16xi32>
      %eq3A_337 = arith.cmpi eq, %iota3A_11, %eq3A_336 : vector<16xi32>
      %jit3A_338 = arith.constant 0 : i32
      %broadcast_in_dim3A_339 = vector.broadcast %jit3A_338 : i32 to vector<16xi32>
      %select_n3A_340 = arith.select %eq3A_337, %get3A_25, %broadcast_in_dim3A_339 : vector<16xi1>, vector<16xi32>
      %reduce_sum3A_341 = arith.constant true
      %reduce_sum3A_342 = vector.broadcast %reduce_sum3A_341 : i1 to vector<16xi1>
      %reduce_sum3A_343 = tpu.scan <sum>, %select_n3A_340 masked %reduce_sum3A_342 : vector<16xi32>, vector<16xi1> -> vector<16xi32>
      %reduce_sum3A_344 = vector.extract %reduce_sum3A_343[15] : i32 from vector<16xi32>
      %mul3A_345 = arith.constant 16 : i32
      %mul3A_346 = arith.muli %scan3A_22, %mul3A_345 : i32
      %add3A_347 = arith.addi %mul3A_2, %mul3A_346 : i32
      %add3A_348 = arith.constant 15 : i32
      %add3A_349 = arith.addi %add3A_347, %add3A_348 : i32
      %dma_start3A_350 = arith.constant 0 : i32
      %dma_start3A_351 = tpu.memref_slice %arg7[%add3A_349, %dma_start3A_350] : memref<16384x16xf32, #tpu.memory_space<hbm>> -> memref<1x16xf32, #tpu.memory_space<hbm>>
      %dma_start3A_352 = tpu.memref_squeeze %dma_start3A_351 : memref<1x16xf32, #tpu.memory_space<hbm>> -> memref<16xf32, #tpu.memory_space<hbm>>
      %dma_start3A_353 = arith.constant 0 : i32
      %dma_start3A_354 = tpu.memref_slice %arg5[%reduce_sum3A_344, %dma_start3A_353] : memref<1000000x16xf32, #tpu.memory_space<hbm>> -> memref<1x16xf32, #tpu.memory_space<hbm>>
      %dma_start3A_355 = tpu.memref_squeeze %dma_start3A_354 : memref<1x16xf32, #tpu.memory_space<hbm>> -> memref<16xf32, #tpu.memory_space<hbm>>
      tpu.enqueue_dma source(%dma_start3A_355 : memref<16xf32, #tpu.memory_space<hbm>>) target(%dma_start3A_352 : memref<16xf32, #tpu.memory_space<hbm>>) target_semaphore(%arg10 : memref<!tpu.dma_semaphore, #tpu.memory_space<semaphore_mem>>)
    }
    %scan3A_16 = arith.constant 32 : i32
    %dma_wait3A_17 = arith.constant 0 : i32
    %dma_wait3A_18 = tpu.memref_slice %arg7[%mul3A_2, %dma_wait3A_17] : memref<16384x16xf32, #tpu.memory_space<hbm>> -> memref<512x16xf32, #tpu.memory_space<hbm>>
    %dma_wait3A_19 = arith.constant 0 : i32
    %dma_wait3A_20 = arith.constant 0 : i32
    %dma_wait3A_21 = tpu.memref_slice %arg5[%dma_wait3A_19, %dma_wait3A_20] : memref<1000000x16xf32, #tpu.memory_space<hbm>> -> memref<512x16xf32, #tpu.memory_space<hbm>>
    tpu.wait_dma2 semaphore(%arg10 : memref<!tpu.dma_semaphore, #tpu.memory_space<semaphore_mem>>) src(%dma_wait3A_21 : memref<512x16xf32, #tpu.memory_space<hbm>>) dst(%dma_wait3A_18 : memref<512x16xf32, #tpu.memory_space<hbm>>)
    return
  }
}

module attributes {stable_mosaic.version = 14 : i64} {
  func.func @_mlp_body(%arg0: i32, %arg1: memref<4096x16xf32, #tpu.memory_space<vmem>>, %arg2: memref<4096x16xf32, #tpu.memory_space<vmem>>, %arg3: memref<32x64xf32, #tpu.memory_space<vmem>>, %arg4: memref<1x64xf32, #tpu.memory_space<vmem>>, %arg5: memref<64x32xf32, #tpu.memory_space<vmem>>, %arg6: memref<1x32xf32, #tpu.memory_space<vmem>>, %arg7: memref<32x16xf32, #tpu.memory_space<vmem>>, %arg8: memref<1x16xf32, #tpu.memory_space<vmem>>, %arg9: memref<16x8xf32, #tpu.memory_space<vmem>>, %arg10: memref<1x8xf32, #tpu.memory_space<vmem>>, %arg11: memref<8x4xf32, #tpu.memory_space<vmem>>, %arg12: memref<1x4xf32, #tpu.memory_space<vmem>>, %arg13: memref<4x1xf32, #tpu.memory_space<vmem>>, %arg14: memref<1x1xf32, #tpu.memory_space<vmem>>, %arg15: memref<4096x1xf32, #tpu.memory_space<vmem>>) attributes {dimension_semantics = [#tpu.dimension_semantics<arbitrary>], iteration_bounds = array<i64: 4>, scalar_prefetch = 0 : i64, scratch_operands = 0 : i64, tpu.core_type = #tpu.core_type<tc>, window_params = [{transform_indices = @transform_0, window_bounds = array<i64: 4096, 16>}, {transform_indices = @transform_1, window_bounds = array<i64: 4096, 16>}, {pipeline_mode = #tpu.pipeline_mode<synchronous>, transform_indices = @transform_2, window_bounds = array<i64: 32, 64>}, {pipeline_mode = #tpu.pipeline_mode<synchronous>, transform_indices = @transform_3, window_bounds = array<i64: 1, 64>}, {pipeline_mode = #tpu.pipeline_mode<synchronous>, transform_indices = @transform_4, window_bounds = array<i64: 64, 32>}, {pipeline_mode = #tpu.pipeline_mode<synchronous>, transform_indices = @transform_5, window_bounds = array<i64: 1, 32>}, {pipeline_mode = #tpu.pipeline_mode<synchronous>, transform_indices = @transform_6, window_bounds = array<i64: 32, 16>}, {pipeline_mode = #tpu.pipeline_mode<synchronous>, transform_indices = @transform_7, window_bounds = array<i64: 1, 16>}, {pipeline_mode = #tpu.pipeline_mode<synchronous>, transform_indices = @transform_8, window_bounds = array<i64: 16, 8>}, {pipeline_mode = #tpu.pipeline_mode<synchronous>, transform_indices = @transform_9, window_bounds = array<i64: 1, 8>}, {pipeline_mode = #tpu.pipeline_mode<synchronous>, transform_indices = @transform_10, window_bounds = array<i64: 8, 4>}, {pipeline_mode = #tpu.pipeline_mode<synchronous>, transform_indices = @transform_11, window_bounds = array<i64: 1, 4>}, {pipeline_mode = #tpu.pipeline_mode<synchronous>, transform_indices = @transform_12, window_bounds = array<i64: 4, 1>}, {pipeline_mode = #tpu.pipeline_mode<synchronous>, transform_indices = @transform_13, window_bounds = array<i64: 1, 1>}, {transform_indices = @transform_14, window_bounds = array<i64: 4096, 1>}]} {
    %get3A = arith.constant 0 : index
    %get3A_0 = arith.constant 0 : index
    %get3A_1 = vector.load %arg1[%get3A, %get3A_0] : memref<4096x16xf32, #tpu.memory_space<vmem>>, vector<4096x16xf32>
    %get3A_2 = arith.constant 0 : index
    %get3A_3 = arith.constant 0 : index
    %get3A_4 = vector.load %arg3[%get3A_2, %get3A_3] : memref<32x64xf32, #tpu.memory_space<vmem>>, vector<16x64xf32>
    %dot_general3A = arith.constant dense<0.000000e+00> : vector<4096x64xf32>
    %dot_general3A_5 = tpu.matmul %get3A_1, %get3A_4, %dot_general3A {dimension_numbers = #tpu.dot_dimension_numbers<[1], [0], [0], [1], [0, 0, 1, 1], [], []>, transpose_lhs_hint = false} : vector<4096x16xf32>, vector<16x64xf32>, vector<4096x64xf32> -> vector<4096x64xf32>
    %get3A_6 = arith.constant 0 : index
    %get3A_7 = arith.constant 0 : index
    %get3A_8 = vector.load %arg2[%get3A_6, %get3A_7] : memref<4096x16xf32, #tpu.memory_space<vmem>>, vector<4096x16xf32>
    %get3A_9 = arith.constant 16 : index
    %get3A_10 = arith.constant 0 : index
    %get3A_11 = vector.load %arg3[%get3A_9, %get3A_10] : memref<32x64xf32, #tpu.memory_space<vmem>>, vector<16x64xf32>
    %dot_general3A_12 = arith.constant dense<0.000000e+00> : vector<4096x64xf32>
    %dot_general3A_13 = tpu.matmul %get3A_8, %get3A_11, %dot_general3A_12 {dimension_numbers = #tpu.dot_dimension_numbers<[1], [0], [0], [1], [0, 0, 1, 1], [], []>, transpose_lhs_hint = false} : vector<4096x16xf32>, vector<16x64xf32>, vector<4096x64xf32> -> vector<4096x64xf32>
    %add3A = arith.addf %dot_general3A_5, %dot_general3A_13 : vector<4096x64xf32>
    %get3A_14 = arith.constant 0 : index
    %get3A_15 = arith.constant 0 : index
    %get3A_16 = vector.load %arg4[%get3A_14, %get3A_15] : memref<1x64xf32, #tpu.memory_space<vmem>>, vector<1x64xf32>
    %add3A_17 = vector.broadcast %get3A_16 : vector<1x64xf32> to vector<4096x64xf32>
    %add3A_18 = arith.addf %add3A, %add3A_17 : vector<4096x64xf32>
    %get3A_19 = arith.constant 0 : index
    %get3A_20 = arith.constant 0 : index
    %get3A_21 = vector.load %arg5[%get3A_19, %get3A_20] : memref<64x32xf32, #tpu.memory_space<vmem>>, vector<64x32xf32>
    %dot_general3A_22 = arith.constant dense<0.000000e+00> : vector<4096x32xf32>
    %dot_general3A_23 = tpu.matmul %add3A_18, %get3A_21, %dot_general3A_22 {dimension_numbers = #tpu.dot_dimension_numbers<[1], [0], [0], [1], [0, 0, 1, 1], [], []>, transpose_lhs_hint = false} : vector<4096x64xf32>, vector<64x32xf32>, vector<4096x32xf32> -> vector<4096x32xf32>
    %get3A_24 = arith.constant 0 : index
    %get3A_25 = arith.constant 0 : index
    %get3A_26 = vector.load %arg6[%get3A_24, %get3A_25] : memref<1x32xf32, #tpu.memory_space<vmem>>, vector<1x32xf32>
    %add3A_27 = vector.broadcast %get3A_26 : vector<1x32xf32> to vector<4096x32xf32>
    %add3A_28 = arith.addf %dot_general3A_23, %add3A_27 : vector<4096x32xf32>
    %max3A = arith.constant 0.000000e+00 : f32
    %max3A_29 = vector.broadcast %max3A : f32 to vector<4096x32xf32>
    %max3A_30 = arith.maximumf %add3A_28, %max3A_29 : vector<4096x32xf32>
    %get3A_31 = arith.constant 0 : index
    %get3A_32 = arith.constant 0 : index
    %get3A_33 = vector.load %arg7[%get3A_31, %get3A_32] : memref<32x16xf32, #tpu.memory_space<vmem>>, vector<32x16xf32>
    %dot_general3A_34 = arith.constant dense<0.000000e+00> : vector<4096x16xf32>
    %dot_general3A_35 = tpu.matmul %max3A_30, %get3A_33, %dot_general3A_34 {dimension_numbers = #tpu.dot_dimension_numbers<[1], [0], [0], [1], [0, 0, 1, 1], [], []>, transpose_lhs_hint = false} : vector<4096x32xf32>, vector<32x16xf32>, vector<4096x16xf32> -> vector<4096x16xf32>
    %get3A_36 = arith.constant 0 : index
    %get3A_37 = arith.constant 0 : index
    %get3A_38 = vector.load %arg8[%get3A_36, %get3A_37] : memref<1x16xf32, #tpu.memory_space<vmem>>, vector<1x16xf32>
    %add3A_39 = vector.broadcast %get3A_38 : vector<1x16xf32> to vector<4096x16xf32>
    %add3A_40 = arith.addf %dot_general3A_35, %add3A_39 : vector<4096x16xf32>
    %max3A_41 = arith.constant 0.000000e+00 : f32
    %max3A_42 = vector.broadcast %max3A_41 : f32 to vector<4096x16xf32>
    %max3A_43 = arith.maximumf %add3A_40, %max3A_42 : vector<4096x16xf32>
    %get3A_44 = arith.constant 0 : index
    %get3A_45 = arith.constant 0 : index
    %get3A_46 = vector.load %arg9[%get3A_44, %get3A_45] : memref<16x8xf32, #tpu.memory_space<vmem>>, vector<16x8xf32>
    %dot_general3A_47 = arith.constant dense<0.000000e+00> : vector<4096x8xf32>
    %dot_general3A_48 = tpu.matmul %max3A_43, %get3A_46, %dot_general3A_47 {dimension_numbers = #tpu.dot_dimension_numbers<[1], [0], [0], [1], [0, 0, 1, 1], [], []>, transpose_lhs_hint = false} : vector<4096x16xf32>, vector<16x8xf32>, vector<4096x8xf32> -> vector<4096x8xf32>
    %get3A_49 = arith.constant 0 : index
    %get3A_50 = arith.constant 0 : index
    %get3A_51 = vector.load %arg10[%get3A_49, %get3A_50] : memref<1x8xf32, #tpu.memory_space<vmem>>, vector<1x8xf32>
    %add3A_52 = vector.broadcast %get3A_51 : vector<1x8xf32> to vector<4096x8xf32>
    %add3A_53 = arith.addf %dot_general3A_48, %add3A_52 : vector<4096x8xf32>
    %max3A_54 = arith.constant 0.000000e+00 : f32
    %max3A_55 = vector.broadcast %max3A_54 : f32 to vector<4096x8xf32>
    %max3A_56 = arith.maximumf %add3A_53, %max3A_55 : vector<4096x8xf32>
    %get3A_57 = arith.constant 0 : index
    %get3A_58 = arith.constant 0 : index
    %get3A_59 = vector.load %arg11[%get3A_57, %get3A_58] : memref<8x4xf32, #tpu.memory_space<vmem>>, vector<8x4xf32>
    %dot_general3A_60 = arith.constant dense<0.000000e+00> : vector<4096x4xf32>
    %dot_general3A_61 = tpu.matmul %max3A_56, %get3A_59, %dot_general3A_60 {dimension_numbers = #tpu.dot_dimension_numbers<[1], [0], [0], [1], [0, 0, 1, 1], [], []>, transpose_lhs_hint = false} : vector<4096x8xf32>, vector<8x4xf32>, vector<4096x4xf32> -> vector<4096x4xf32>
    %get3A_62 = arith.constant 0 : index
    %get3A_63 = arith.constant 0 : index
    %get3A_64 = vector.load %arg12[%get3A_62, %get3A_63] : memref<1x4xf32, #tpu.memory_space<vmem>>, vector<1x4xf32>
    %add3A_65 = vector.broadcast %get3A_64 : vector<1x4xf32> to vector<4096x4xf32>
    %add3A_66 = arith.addf %dot_general3A_61, %add3A_65 : vector<4096x4xf32>
    %max3A_67 = arith.constant 0.000000e+00 : f32
    %max3A_68 = vector.broadcast %max3A_67 : f32 to vector<4096x4xf32>
    %max3A_69 = arith.maximumf %add3A_66, %max3A_68 : vector<4096x4xf32>
    %get3A_70 = arith.constant 0 : index
    %get3A_71 = arith.constant 0 : index
    %get3A_72 = vector.load %arg13[%get3A_70, %get3A_71] : memref<4x1xf32, #tpu.memory_space<vmem>>, vector<4x1xf32>
    %dot_general3A_73 = arith.constant dense<0.000000e+00> : vector<4096x1xf32>
    %dot_general3A_74 = tpu.matmul %max3A_69, %get3A_72, %dot_general3A_73 {dimension_numbers = #tpu.dot_dimension_numbers<[1], [0], [0], [1], [0, 0, 1, 1], [], []>, transpose_lhs_hint = false} : vector<4096x4xf32>, vector<4x1xf32>, vector<4096x1xf32> -> vector<4096x1xf32>
    %get3A_75 = arith.constant 0 : index
    %get3A_76 = arith.constant 0 : index
    %get3A_77 = vector.load %arg14[%get3A_75, %get3A_76] : memref<1x1xf32, #tpu.memory_space<vmem>>, vector<1x1xf32>
    %add3A_78 = vector.broadcast %get3A_77 : vector<1x1xf32> to vector<4096x1xf32>
    %add3A_79 = arith.addf %dot_general3A_74, %add3A_78 : vector<4096x1xf32>
    %max3A_80 = arith.constant 0.000000e+00 : f32
    %max3A_81 = vector.broadcast %max3A_80 : f32 to vector<4096x1xf32>
    %max3A_82 = arith.maximumf %add3A_79, %max3A_81 : vector<4096x1xf32>
    %swap3A = arith.constant 0 : index
    %swap3A_83 = arith.constant 0 : index
    %swap3A_84 = vector.load %arg15[%swap3A, %swap3A_83] : memref<4096x1xf32, #tpu.memory_space<vmem>>, vector<4096x1xf32>
    tpu.vector_store %arg15[%swap3A, %swap3A_83], %max3A_82 {strides = array<i32>} : memref<4096x1xf32, #tpu.memory_space<vmem>>, vector<4096x1xf32>,
    return
  }
  func.func @transform_0(%arg0: i32) -> (i32, i32) {
    %c0_i32 = arith.constant 0 : i32
    %c0_i32_0 = arith.constant 0 : i32
    return %arg0, %c0_i32 : i32, i32
  }
  func.func @transform_1(%arg0: i32) -> (i32, i32) {
    %c0_i32 = arith.constant 0 : i32
    %c0_i32_0 = arith.constant 0 : i32
    return %arg0, %c0_i32 : i32, i32
  }
  func.func @transform_2(%arg0: i32) -> (i32, i32) {
    %c0_i32 = arith.constant 0 : i32
    %c0_i32_0 = arith.constant 0 : i32
    %c0_i32_1 = arith.constant 0 : i32
    return %c0_i32, %c0_i32_0 : i32, i32
  }
  func.func @transform_3(%arg0: i32) -> (i32, i32) {
    %c0_i32 = arith.constant 0 : i32
    %c0_i32_0 = arith.constant 0 : i32
    %c0_i32_1 = arith.constant 0 : i32
    return %c0_i32, %c0_i32_0 : i32, i32
  }
  func.func @transform_4(%arg0: i32) -> (i32, i32) {
    %c0_i32 = arith.constant 0 : i32
    %c0_i32_0 = arith.constant 0 : i32
    %c0_i32_1 = arith.constant 0 : i32
    return %c0_i32, %c0_i32_0 : i32, i32
  }
  func.func @transform_5(%arg0: i32) -> (i32, i32) {
    %c0_i32 = arith.constant 0 : i32
    %c0_i32_0 = arith.constant 0 : i32
    %c0_i32_1 = arith.constant 0 : i32
    return %c0_i32, %c0_i32_0 : i32, i32
  }
  func.func @transform_6(%arg0: i32) -> (i32, i32) {
    %c0_i32 = arith.constant 0 : i32
    %c0_i32_0 = arith.constant 0 : i32
    %c0_i32_1 = arith.constant 0 : i32
    return %c0_i32, %c0_i32_0 : i32, i32
  }
  func.func @transform_7(%arg0: i32) -> (i32, i32) {
    %c0_i32 = arith.constant 0 : i32
    %c0_i32_0 = arith.constant 0 : i32
    %c0_i32_1 = arith.constant 0 : i32
    return %c0_i32, %c0_i32_0 : i32, i32
  }
  func.func @transform_8(%arg0: i32) -> (i32, i32) {
    %c0_i32 = arith.constant 0 : i32
    %c0_i32_0 = arith.constant 0 : i32
    %c0_i32_1 = arith.constant 0 : i32
    return %c0_i32, %c0_i32_0 : i32, i32
  }
  func.func @transform_9(%arg0: i32) -> (i32, i32) {
    %c0_i32 = arith.constant 0 : i32
    %c0_i32_0 = arith.constant 0 : i32
    %c0_i32_1 = arith.constant 0 : i32
    return %c0_i32, %c0_i32_0 : i32, i32
  }
  func.func @transform_10(%arg0: i32) -> (i32, i32) {
    %c0_i32 = arith.constant 0 : i32
    %c0_i32_0 = arith.constant 0 : i32
    %c0_i32_1 = arith.constant 0 : i32
    return %c0_i32, %c0_i32_0 : i32, i32
  }
  func.func @transform_11(%arg0: i32) -> (i32, i32) {
    %c0_i32 = arith.constant 0 : i32
    %c0_i32_0 = arith.constant 0 : i32
    %c0_i32_1 = arith.constant 0 : i32
    return %c0_i32, %c0_i32_0 : i32, i32
  }
  func.func @transform_12(%arg0: i32) -> (i32, i32) {
    %c0_i32 = arith.constant 0 : i32
    %c0_i32_0 = arith.constant 0 : i32
    %c0_i32_1 = arith.constant 0 : i32
    return %c0_i32, %c0_i32_0 : i32, i32
  }
  func.func @transform_13(%arg0: i32) -> (i32, i32) {
    %c0_i32 = arith.constant 0 : i32
    %c0_i32_0 = arith.constant 0 : i32
    %c0_i32_1 = arith.constant 0 : i32
    return %c0_i32, %c0_i32_0 : i32, i32
  }
  func.func @transform_14(%arg0: i32) -> (i32, i32) {
    %c0_i32 = arith.constant 0 : i32
    %c0_i32_0 = arith.constant 0 : i32
    return %arg0, %c0_i32 : i32, i32
  }
}

</mosaic_0001>

<sc_bundles>
// kernel: kernel.4.cloned.1.call-start
scs
__scs_entry_jumppad:
0x0: {  	(pc) =	sbr.rel $0x88, $3  }
0x1: {  	(tag) =	ssettag $0x0;
	lr =	simm.s32 $0x1  }
0x2: {  	[smem:$0x3F91] =	sst lr;
	_ =	strace $0xD0000000  }
0x3: {  	_ = 	snop  }
0x4: {  	_ = 	snop  }
0x5: {  	_ = 	snop  }
0x6: {  	_ = 	snop  }
0x7: {  	_ = 	snop  }
__scs_overlays_trampoline_lowered:
0x8: {  	[smem:$0x3FA0] =	sst s0  }
0x9: {  	[smem:$0x3FA1] =	sst s1  }
0xa: {  	[smem:$0x3FA2] =	sst s2  }
0xb: {  	[smem:$0x3FA3] =	sst s3  }
0xc: {  	[smem:$0x3FA4] =	sst s4  }
0xd: {  	[smem:$0x3FA5] =	sst s5  }
0xe: {  	[smem:$0x3FA6] =	sst s6  }
0xf: {  	[smem:$0x3FA7] =	sst s7  }
0x10: {  	[smem:$0x3FA8] =	sst s8  }
0x11: {  	[smem:$0x3FA9] =	sst s9;
	s0 =	simm.s32 @!p0 $0x0  }
0x12: {  	s1 =	sld [smem:$0x3F8F];
	s0 =	simm.s32 @p0 $0x1  }
0x13: {  	[smem:$0x3FAA] =	sst s0;
	s0 =	simm.s32 @!p1 $0x0  }
0x14: {  	s2 =	sld [smem:$0x3F8E];
	s0 =	simm.s32 @p1 $0x1  }
0x15: {  	[smem:$0x3FAB] =	sst s0;
	s0 =	simm.s32 @!p2 $0x0  }
0x16: {  	s3 =	sld [smem:$0x3FDB];
	s0 =	simm.s32 @p2 $0x1  }
0x17: {  	s4 =	simm.s32 $0x1BF5;
	[smem:$0x3FAD] =	sst s0  }
0x18: {  	s0 =	sld [smem:$0x3F90];
	_ =	swait.ge [sflag:s4], $0x0  }
0x19: {  	s7 =	sld [smem:$0x3F91]  }
0x1a: {  	s8 =	sadd.s32 $0xFFFFE003, lr  }
0x1b: {  	s9 =	sadd.s32 $0xFFFFFEF7, lr;
	s5 =	simm.s32 $0xFFFFFFFF;
	p2 =	slt.u32 s8, $0xFFFFF086  }
0x1c: {  	p1 =	slt.u32 s9, $0xF7A;
	s5 =	simm.s32 @!p2 $0x0  }
0x1d: {  	s5 =	simm.s32 @p1 $0x1;
	p0 =	seq.s32 s7, s2  }
0x1e: {  	s7 =	smul.u32 @!p0 $0xF7A, s2;
	p2 =	seq.s32 @!p0 s5, $0x0  }
0x1f: {  	s9 =	smul.u32 $0xF7A, s1;
	s8 =	simm.s32 @!p0 $0x1BF5;
	p2 =	por !p2, p0  }
0x20: {  	[sflag:s8] =	ssyncset.s32 @!p0 $0xFFFFF086;
	s6 =	sadd.s32 @!p0 s3, s7;
	s7 =	simm.s32 @!p0 $0x108  }
0x21: {  	s3 =	sadd.s32 s3, s9;
	s6 =	sadd.s32 @!p0 $0x88, s6;
	s7 =	simm.s32 @p2 $0x1082  }
0x22: {  	[simem:s7], [sflag:s8] =	dma.local @!p0 [hbm:s6], $0xF7A  }
0x23: {  	s9 =	sor.u32 $0xD0000000, s2;
	s6 =	simm.s32 $0x108;
	_ =	swait.ge @!p0 [sflag:s8], $0x0  }
0x24: {  	s3 =	sadd.s32 $0x88, s3;
	s6 =	simm.s32 @!p1 $0x1082;
	[sflag:s4] =	ssyncset.s32 $0xFFFFF086  }
0x25: {  	[simem:s6], [sflag:s4] =	dma.local [hbm:s3], $0xF7A  }
0x26: {  	[smem:$0x3F91] =	sst s1;
	(tag) =	ssettag s2;
	_ =	strace s9  }
0x27: {  	s1 =	sld [smem:$0x3FA1]  }
0x28: {  	s2 =	sld [smem:$0x3FA2]  }
0x29: {  	s4 =	sld [smem:$0x3FA4]  }
0x2a: {  	p0 =	seq.s32 s5, $0x0;
	s5 =	sld [smem:$0x3FA5]  }
0x2b: {  	s6 =	sld [smem:$0x3FA6]  }
0x2c: {  	s7 =	sld [smem:$0x3FA7]  }
0x2d: {  	s3 =	simm.s32 $0x108;
	s8 =	sld [smem:$0x3FA8]  }
0x2e: {  	s3 =	simm.s32 @!p0 $0x1082;
	s9 =	sld [smem:$0x3FA9]  }
0x2f: {  	lr =	sadd.s32 s0, s3;
	s0 =	sld [smem:$0x3FA0]  }
0x30: {  	s3 =	sld [smem:$0x3FA3]  }
0x31: {  	[smem:$0x3FAC] =	sst s10  }
0x32: {  	s10 =	sld [smem:$0x3FAA];
	_ =	sdelay $0x3  }
0x33: {  	p0 =	seq.s32 s10, $0x1;
	s10 =	sld [smem:$0x3FAC];
	_ =	sdelay $0x3  }
0x34: {  	[smem:$0x3FAC] =	sst s10  }
0x35: {  	s10 =	sld [smem:$0x3FAB];
	_ =	sdelay $0x3  }
0x36: {  	p1 =	seq.s32 s10, $0x1;
	s10 =	sld [smem:$0x3FAC];
	_ =	sdelay $0x3  }
0x37: {  	[smem:$0x3FAC] =	sst s10  }
0x38: {  	s10 =	sld [smem:$0x3FAD]  }
0x39: {  	_ = 	snop;
	(pc) =	sbr.ind lr, $3  }
0x3a: {  	_ = 	snop  }
0x3b: {  	_ = 	snop  }
0x3c: {  	p2 =	seq.s32 s10, $0x1;
	s10 =	sld [smem:$0x3FAC]  }
0x3d: {  	_ =	shalt  }
0x3e: {  	_ =	shalt  }
0x3f: {  	_ =	shalt  }
0x40: {  	_ =	shalt  }
0x41: {  	_ =	shalt  }
0x42: {  	_ =	shalt  }
0x43: {  	_ =	shalt  }
0x44: {  	_ =	shalt  }
0x45: {  	_ =	shalt  }
0x46: {  	_ =	shalt  }
0x47: {  	_ =	shalt  }
0x48: {  	_ =	shalt  }
0x49: {  	_ =	shalt  }
0x4a: {  	_ =	shalt  }
0x4b: {  	_ =	shalt  }
0x4c: {  	_ =	shalt  }
0x4d: {  	_ =	shalt  }
0x4e: {  	_ =	shalt  }
0x4f: {  	_ =	shalt  }
0x50: {  	_ =	shalt  }
0x51: {  	_ =	shalt  }
0x52: {  	_ =	shalt  }
0x53: {  	_ =	shalt  }
0x54: {  	_ =	shalt  }
0x55: {  	_ =	shalt  }
0x56: {  	_ =	shalt  }
0x57: {  	_ =	shalt  }
0x58: {  	_ =	shalt  }
0x59: {  	_ =	shalt  }
0x5a: {  	_ =	shalt  }
0x5b: {  	_ =	shalt  }
0x5c: {  	_ =	shalt  }
0x5d: {  	_ =	shalt  }
0x5e: {  	_ =	shalt  }
0x5f: {  	_ =	shalt  }
0x60: {  	_ =	shalt  }
0x61: {  	_ =	shalt  }
0x62: {  	_ =	shalt  }
0x63: {  	_ =	shalt  }
0x64: {  	_ =	shalt  }
0x65: {  	_ =	shalt  }
0x66: {  	_ =	shalt  }
0x67: {  	_ =	shalt  }
0x68: {  	_ =	shalt  }
0x69: {  	_ =	shalt  }
0x6a: {  	_ =	shalt  }
0x6b: {  	_ =	shalt  }
0x6c: {  	_ =	shalt  }
0x6d: {  	_ =	shalt  }
0x6e: {  	_ =	shalt  }
0x6f: {  	_ =	shalt  }
0x70: {  	_ =	shalt  }
0x71: {  	_ =	shalt  }
0x72: {  	_ =	shalt  }
0x73: {  	_ =	shalt  }
0x74: {  	_ =	shalt  }
0x75: {  	_ =	shalt  }
0x76: {  	_ =	shalt  }
0x77: {  	_ =	shalt  }
0x78: {  	_ =	shalt  }
0x79: {  	_ =	shalt  }
0x7a: {  	_ =	shalt  }
0x7b: {  	_ =	shalt  }
0x7c: {  	_ =	shalt  }
0x7d: {  	_ =	shalt  }
0x7e: {  	_ =	shalt  }
0x7f: {  	_ =	shalt  }
0x80: {  	_ =	shalt  }
0x81: {  	_ =	shalt  }
0x82: {  	_ =	shalt  }
0x83: {  	_ =	shalt  }
0x84: {  	_ =	shalt  }
0x85: {  	_ =	shalt  }
0x86: {  	_ =	shalt  }
0x87: {  	_ =	shalt  }
.Lfunc_end0:
.L_simem_size_0:
called_computation_lowered:
.L_overlay_start_0:
0x88: {  	s2 =	sld [smem:$0x3FD9]  }
0x89: {  	s3 =	sld [smem:$0x3FFE];
	_ =	sdelay $0x1  }
0x8a: {  	s1 =	srdreg.scid  }
0x8b: {  	s0 =	sand.u32 $0x1, s1  }
0x8c: {  	s17 =	sshll.u32 s0, $0xA;
	s2 =	sadd.s32 s3, s2  }
0x8d: {  	s2 =	sadd.s32 s2, s17  }
0x8e: {  	[smem:$0x3FB8] =	sst s2  }
0x8f: {  	_ = 	snop  }
0x90: {  	s2 =	sld [smem:$0x3FC9]  }
0x91: {  	s18 =	sld [smem:$0x3FC8];
	(tm) =	ssettm $0x1  }
0x92: {  	s4 =	sld [smem:$0x3FFB];
	_ =	sdelay $0x3  }
0x93: {  	_ =	strace s4  }
0x94: {  	s4 =	sld [smem:$0x3FFC];
	_ =	sdelay $0x3  }
0x95: {  	_ =	strace s4  }
0x96: {  	s4 =	sld [smem:$0x3FFD];
	_ =	sdelay $0x3  }
0x97: {  	_ =	strace s4  }
0x98: {  	_ =	strace $0x8FFFFFFF  }
0x99: {  	s19 =	sld [smem:$0x3FDB];
	_ =	sdelay $0x1  }
0x9a: {  	s5 =	simm.s32 $_scs_section_size  }
0x9b: {  	s6 =	simm.s32 $_size__tile_overlayer_lowered;
	s7 =	simm.s32 $_tile_overlayer_lowered  }
0x9c: {  	s22 =	simm.s32 $0x1BFF;
	s21 =	sshll.u32 s7, $0x1;
	s4 =	sadd.s32 s5, s19  }
0x9d: {  	s8 =	simm.s32 $0x0;
	s20 =	sshll.u32 s6, $0x1;
	s6 =	sadd.s32 s21, s4  }
0x9e: {  	[timem:s8], [sflag:s22] =	dma.local [hbm:s6], s20  }
0x9f: {  	_ =	swait.ge [sflag:s22], s20  }
0xa0: {  	s5 =	ssub.s32 $0x0, s20;
	[sflag:s22] =	ssyncset.done $0x0  }
0xa1: {  	[sflag:s22] =	ssyncadd.s32 s5;
	_ =	sdelay $0x1  }
0xa2: {  	s23 =	simm.s32 $0x1B8B  }
0xa3: {  	_ =	swait.ge [sflag:s23], $0x1  }
0xa4: {  	[sflag:s23] =	ssyncset.done $0x0  }
0xa5: {  	s25 =	simm.s32 $0x1B8E;
	s24 =	sld [smem:$0x3FFE];
	[sflag:s23] =	ssyncadd.s32 $0xFFFFFFFF  }
0xa6: {  	s26 =	simm.s32 $execute0_lowered;
	[smem:$0x3FD2] =	sst s25  }
0xa7: {  	s6 =	sshll.u32 s26, $0x1;
	_ =	strace $0x80000046;
	[dreg:$0x1] =	wrdreg $0xFFFFFFFF  }
0xa8: {  	s28 =	simm.s32 $_size_execute0_lowered;
	s4 =	sadd.s32 s4, s6;
	[dreg:$0x0] =	wrdreg $0x0  }
0xa9: {  	s6 =	sshll.u32 s28, $0x1;
	[dreg:$0x2] =	wrdreg s4  }
0xaa: {  	[dreg:$0x3] =	wrdreg s6  }
0xab: {  	[dreg:$0x4] =	wrdreg $0xC0  }
0xac: {  	_ =	task [dreg:s8], $0x5FFFF  }
0xad: {  	[dreg:$0x1] =	wrdreg $0xFFFFFFFF  }
0xae: {  	[dreg:$0x0] =	wrdreg $0x60  }
0xaf: {  	[dreg:$0x2] =	wrdreg s2  }
0xb0: {  	[dreg:$0x3] =	wrdreg s18  }
0xb1: {  	[dreg:$0x4] =	wrdreg s24  }
0xb2: {  	[dreg:$0x5] =	wrdreg $0x9  }
0xb3: {  	_ =	task.clear_ibuf [dreg:s8], $0x6FFFF;
	_ =	strace $0x90000046  }
0xb4: {  	s29 =	simm.s32 $0x9;
	_ =	strace $0x80000048  }
0xb5: {  	_ =	swait.ge [sflag:s29], $0x1  }
0xb6: {  	[sflag:s29] =	ssyncadd.s32 $0xFFFFFFFF  }
0xb7: {  	_ =	strace $0x90000048  }
0xb8: {  	_ =	sfence  }
0xb9: {  	s30 =	sld [smem:$0x0];
	_ =	sdelay $0x2  }
0xba: {  	s31 =	sshll.u32 s1, $0xD;
	s1 =	sshrl.u32 s1, $0x2  }
0xbb: {  	s3 =	sand.u32 $0x4000, s31;
	s1 =	sadd.s32 s1, s30  }
0xbc: {  	s0 =	sor.u32 s3, s0;
	s1 =	sshll.u32 s1, $0x11  }
0xbd: {  	s0 =	sor.u32 s1, s0  }
0xbe: {  	s0 =	sadd.s32 $0x8F2B, s0  }
0xbf: {  	[sflag:s0] =	ssyncadd.remote.s32 $0x1  }
0xc0: {  	_ =	sfence.sel $0xFFFF  }
0xc1: {  	[dreg:$0x0] =	wrdreg $0xFFFFFFFF;
	(pc) =	sbr.abs _section_cstart, $3  }
0xc2: {  	[dreg:$0x1] =	wrdreg $0xFFFFFFFF  }
0xc3: {  	_ =	task.clear_ibuf [dreg:s8], $0x2FFFF;
	_ =	strace $0x9FFFFFFF  }
0xc4: {  	(tm) =	ssettm $0x7FFFFFFF  }
0xc5: {  	_ =	shalt  }
tec
execute0_lowered:
.L_overlay_start_1:
0x0: {  	(tag) =	ssettag $0x1  }
0x1: {  	s0 =	rddreg [dreg:$0x0]  }
0x2: {  	s1 =	rddreg [dreg:$0x1]  }
0x3: {  	s2 =	rddreg [dreg:$0x2]  }
0x4: {  	s3 =	simm.s32 $0x0;
	s23 =	stileid.u32;
	s5 =	srdreg.scid  }
0x5: {  	[smem:$0x7FF] =	sst s3;
	s22 =	sadd.s32 $0x2000, s2;
	s6 =	sshll.u32 s23, $0xE  }
0x6: {  	s4 =	sadd.s32 $0xF44400, s2;
	s5 =	sand.u32 $0x1, s5;
	s2 =	sadd.s32 s6, s2  }
0x7: {  	s7 =	sshll.u32 s5, $0x9;
	s8 =	ssub.s32 $0x2, s5;
	s5 =	sshll.u32 s5, $0xD  }
0x8: {  	s24 =	sshll.u32 s23, $0xA;
	s31 =	sshll.u32 s23, $0x6;
	s2 =	sadd.s32 s5, s2  }
0x9: {  	vm0 =	vmmov $0x1;
	_ =	strace $0x80000047;
	s6 =	sor.u32 s7, s24;
	s28 =	sadd.s32 $0x1E86800, s2  }
0xa: {  	vm1 =	vcmask $0x308;
	vm2 =	vcmask $0x70C;
	vm3 =	vcmask $0xB10;
	s6 =	sshrl.u32 s6, $0x3;
	s29 =	sadd.s32 $0x1EC6800, s2;
	[dreg:$0x4] =	wrdreg s28  }
0xb: {  	vm4 =	vcmask $0xF14;
	vm5 =	vcmask $0x1318;
	vm6 =	vcmask $0x171C;
	s25 =	sshrl.u32 s8, $0x1;
	s0 =	sadd.s32 s0, s6;
	[dreg:$0x5] =	wrdreg s29  }
0xc: {  	vm7 =	vcmask $0x1B20;
	vm8 =	vcmask $0x1F24;
	vm9 =	vcmask $0x2328;
	s26 =	ssub.s32 s8, s25;
	s1 =	sadd.s32 s1, s6;
	[dreg:$0x12] =	wrdreg s0  }
0xd: {  	vm10 =	vcmask $0x272C;
	vm11 =	vcmask $0x2B30;
	vm12 =	vcmask $0x2F34;
	s9 =	sor.u32 $0x1C01, s31;
	s30 =	smax.u32 s26, $0x1;
	[dreg:$0x13] =	wrdreg s1  }
0xe: {  	vm13 =	vcmask $0x3338;
	vm14 =	vcmask $0x373C;
	vm15 =	vmmov $0x7fff;
	s11 =	sor.u32 $0x1C02, s31;
	s2 =	simm.s32 $0x0;
	[dreg:$0x14] =	wrdreg s30  }
.LBB2_1:
0xf: {  	[dreg:$0x15] =	wrdreg s2  }
0x10: {  	s0 =	simm.s32 $0x0;
	s1 =	rddreg [dreg:$0x12];
	s31 =	simm.s32 $0x3  }
0x11: {  	[tilespmem:s0], [sflag:$0x3] =	stream.linear.gather [hbm4b:s1+s0], $0x200, $0x38;
	[tilespmem:$0x200] =	vst v63  }
0x12: {  	_ =	swait.ge [sflag:s31], $0x200  }
0x13: {  	[sflag:s31] =	ssyncset.done $0x0  }
0x14: {  	[sflag:s31] =	ssyncadd.s32 $0xFFFFFE00  }
0x15: {  	v0 =	vld [tilespmem:s0+$0x0];
	_ =	sdelay $0x4  }
0x16: {  	v1 =	vsel vm4, $0x0, v0  }
0x17: {  	v2 =	vsel vm6, $0x0, v0;
	(xrf0) =	vadd.scan.msk.s32 $0xffff, v1  }
0x18: {  	v1 =	vsel vm11, $0x0, v0;
	(xrf0) =	vadd.scan.msk.s32 $0xffff, v2  }
0x19: {  	v2 =	vsel vm8, $0x0, v0;
	(xrf0) =	vadd.scan.msk.s32 $0xffff, v1  }
0x1a: {  	v1 =	vsel vm7, $0x0, v0;
	(xrf0) =	vadd.scan.msk.s32 $0xffff, v2  }
0x1b: {  	v2 =	vsel vm12, $0x0, v0;
	(xrf0) =	vadd.scan.msk.s32 $0xffff, v1  }
0x1c: {  	(xrf0) =	vadd.scan.msk.s32 $0xffff, v2;
	v2 =	vsel vm1, $0x0, v0  }
0x1d: {  	v1 =	vsel vm13, $0x0, v0;
	v3, _, _ =	vpop (xrf0)  }
0x1e: {  	(xrf0) =	vadd.scan.msk.s32 $0xffff, v1;
	(v2sf) =	vpush v3, $0xF;
	v3 =	vnsel vm0, $0x0, v0  }
0x1f: {  	v1 =	vsel vm14, $0x0, v0;
	(xrf0) =	vadd.scan.msk.s32 $0xffff, v2;
	v2, _, _ =	vpop (xrf0)  }
0x20: {  	(xrf0) =	vadd.scan.msk.s32 $0xffff, v1;
	(v2sf) =	vpush v2, $0xF;
	v2, _, _ =	vpop (xrf0)  }
0x21: {  	v1 =	vsel vm9, $0x0, v0;
	(xrf0) =	vadd.scan.msk.s32 $0xffff, v3;
	v3, _, _ =	vpop (xrf0);
	(v2sf) =	vpush v2, $0xF  }
0x22: {  	v2 =	vsel vm10, $0x0, v0;
	(xrf0) =	vadd.scan.msk.s32 $0xffff, v1;
	v4, _, _ =	vpop (xrf0);
	(v2sf) =	vpush v3, $0xF  }
0x23: {  	s15 =	simm.s32 $0x100;
	v5 =	vsel vm15, $0x0, v0;
	v1 =	vsel vm3, $0x0, v0;
	(xrf0) =	vadd.scan.msk.s32 $0xffff, v2;
	(v2sf) =	vpush v4, $0xF;
	v3, _, _ =	vpop (xrf0)  }
0x24: {  	s16 =	simm.s32 $0x0;
	s13 =	simm.s32 $0x0;
	s17 =	rddreg [dreg:$0x4];
	v2 =	vsel vm5, $0x0, v0;
	v0 =	vsel vm2, $0x0, v0;
	(xrf0) =	vadd.scan.msk.s32 $0xffff, v5;
	(v2sf) =	vpush v3, $0xF;
	v3, _, _ =	vpop (xrf0)  }
.LBB2_2:
0x25: {  	v4, _, _ =	vpop (xrf0);
	(xrf0) =	vadd.scan.msk.s32 $0xffff, v1;
	(v2sf) =	vpush v3, $0xF  }
0x26: {  	(v2sf) =	vpush v4, $0xF;
	(xrf0) =	vadd.scan.msk.s32 $0xffff, v2;
	v1, _, _ =	vpop (xrf0)  }
0x27: {  	s0 =	smov.u32 s15;
	s1 =	sadd.s32 s13, s17;
	v2, _, _ =	vpop (xrf0);
	(xrf0) =	vadd.scan.msk.s32 $0xffff, v0;
	(v2sf) =	vpush v1, $0xF  }
0x28: {  	s2 =	smov.u32 s0;
	s24 =	sadd.s32 $0x10, s1;
	s10 =	sadd.s32 $0x20, s1;
	(v2sf) =	vpush v2, $0xF;
	v0, _, _ =	vpop (xrf0)  }
0x29: {  	s12 =	sadd.s32 $0xE0, s1;
	s25 =	sadd.s32 $0x40, s1;
	s13 =	sadd.s32 $0xB0, s1;
	(v2sf) =	vpush v0, $0xF;
	v0, _, _ =	vpop (xrf0)  }
0x2a: {  	s14 =	sadd.s32 $0xF0, s1;
	s29 =	sadd.s32 $0x30, s1;
	[dreg:$0xe] =	wrdreg s2;
	(v2sf) =	vpush v0, $0xF;
	v0, _, _ =	vpop (xrf0)  }
0x2b: {  	s21 =	sadd.s32 $0x80, s1;
	s17 =	sadd.s32 $0xC0, s1;
	[dreg:$0x10] =	wrdreg s10;
	v1, _, _ =	vpop (xrf0)  }
0x2c: {  	s30 =	sadd.s32 $0x50, s1;
	s26 =	sadd.s32 $0x70, s1;
	[dreg:$0x6] =	wrdreg s12;
	v2, _, _ =	vpop (xrf0)  }
0x2d: {  	s31 =	sadd.s32 $0x60, s1;
	s28 =	sadd.s32 $0xA0, s1;
	[dreg:$0xa] =	wrdreg s13;
	v3, _, _ =	vpop (xrf0)  }
0x2e: {  	s23 =	sadd.s32 $0xD0, s1;
	[dreg:$0x8] =	wrdreg s14;
	(v2sf) =	vpush v3, $0xF;
	s18 =	spop (v2sf)  }
0x2f: {  	[dreg:$0xc] =	wrdreg s17;
	s17 =	sadd.s32 $0x90, s1;
	s5 =	spop (v2sf);
	(v2sf) =	vpush v0, $0xF  }
0x30: {  	s2 =	sshll.u32 s18, $0x4;
	s5 =	sshll.u32 s5, $0x4;
	(v2sf) =	vpush v1, $0xF;
	s6 =	spop (v2sf)  }
0x31: {  	s2 =	sand.u32 $0x1FFFFFF0, s2;
	s6 =	sshll.u32 s6, $0x4;
	s7 =	spop (v2sf);
	(v2sf) =	vpush v2, $0xF  }
0x32: {  	s5 =	sand.u32 $0x1FFFFFF0, s5;
	s2 =	sadd.s32 s22, s2;
	s7 =	sshll.u32 s7, $0x4  }
0x33: {  	s10 =	spop (v2sf);
	s5 =	sadd.s32 s22, s5;
	s6 =	sand.u32 $0x1FFFFFF0, s6  }
0x34: {  	s10 =	sshll.u32 s10, $0x4;
	s7 =	sand.u32 $0x1FFFFFF0, s7;
	s12 =	spop (v2sf)  }
0x35: {  	s6 =	sadd.s32 s22, s6;
	s10 =	sand.u32 $0x1FFFFFF0, s10;
	s8 =	spop (v2sf)  }
0x36: {  	s12 =	sshll.u32 s12, $0x4;
	s7 =	sadd.s32 s22, s7;
	s19 =	spop (v2sf)  }
0x37: {  	s12 =	sand.u32 $0x1FFFFFF0, s12;
	s8 =	sshll.u32 s8, $0x4;
	s14 =	spop (v2sf)  }
0x38: {  	s10 =	sadd.s32 s22, s10;
	s13 =	sshll.u32 s19, $0x4;
	s18 =	spop (v2sf)  }
0x39: {  	s12 =	sadd.s32 s22, s12;
	s13 =	sand.u32 $0x1FFFFFF0, s13;
	s18 =	sshll.u32 s18, $0x4  }
0x3a: {  	s19 =	spop (v2sf);
	s13 =	sadd.s32 s22, s13;
	s18 =	sand.u32 $0x1FFFFFF0, s18  }
0x3b: {  	s19 =	sshll.u32 s19, $0x4;
	s20 =	spop (v2sf);
	s18 =	sadd.s32 s22, s18  }
0x3c: {  	[hbm:s1], [sflag:s9] =	dma.local [hbm:s18], $0x10  }
0x3d: {  	s19 =	sand.u32 $0x1FFFFFF0, s19;
	s20 =	sshll.u32 s20, $0x4;
	s18 =	spop (v2sf)  }
0x3e: {  	s1 =	sand.u32 $0x1FFFFFF0, s20;
	s18 =	sshll.u32 s18, $0x4;
	s0 =	spop (v2sf)  }
0x3f: {  	s19 =	sadd.s32 s22, s19;
	s18 =	sand.u32 $0x1FFFFFF0, s18;
	s3 =	spop (v2sf)  }
0x40: {  	s20 =	sshll.u32 s0, $0x4;
	s0 =	sshll.u32 s3, $0x4;
	s3 =	spop (v2sf)  }
0x41: {  	s1 =	sadd.s32 s22, s1;
	s18 =	sadd.s32 s22, s18;
	s3 =	sshll.u32 s3, $0x4  }
0x42: {  	[hbm:s24], [sflag:s9] =	dma.local [hbm:s13], $0x10  }
0x43: {  	s0 =	sand.u32 $0x1FFFFFF0, s0;
	s3 =	sand.u32 $0x1FFFFFF0, s3;
	s13 =	rddreg [dreg:$0xe]  }
0x44: {  	s0 =	sadd.s32 s22, s0;
	s24 =	rddreg [dreg:$0x10];
	s3 =	sadd.s32 s22, s3  }
0x45: {  	[hbm:s24], [sflag:s9] =	dma.local [hbm:s18], $0x10  }
0x46: {  	[hbm:s29], [sflag:s9] =	dma.local [hbm:s0], $0x10  }
0x47: {  	[hbm:s25], [sflag:s9] =	dma.local [hbm:s2], $0x10  }
0x48: {  	[hbm:s30], [sflag:s9] =	dma.local [hbm:s3], $0x10  }
0x49: {  	[hbm:s31], [sflag:s9] =	dma.local [hbm:s5], $0x10  }
0x4a: {  	[hbm:s26], [sflag:s9] =	dma.local [hbm:s10], $0x10  }
0x4b: {  	[hbm:s21], [sflag:s9] =	dma.local [hbm:s7], $0x10  }
0x4c: {  	[hbm:s17], [sflag:s9] =	dma.local [hbm:s19], $0x10  }
0x4d: {  	[hbm:s28], [sflag:s9] =	dma.local [hbm:s1], $0x10  }
0x4e: {  	s8 =	sand.u32 $0x1FFFFFF0, s8;
	s14 =	sshll.u32 s14, $0x4;
	s29 =	rddreg [dreg:$0xa]  }
0x4f: {  	[hbm:s29], [sflag:s9] =	dma.local [hbm:s6], $0x10  }
0x50: {  	s14 =	sand.u32 $0x1FFFFFF0, s14;
	s30 =	sadd.s32 s22, s8;
	s0 =	rddreg [dreg:$0xc]  }
0x51: {  	[hbm:s0], [sflag:s9] =	dma.local [hbm:s12], $0x10  }
0x52: {  	[hbm:s23], [sflag:s9] =	dma.local [hbm:s30], $0x10  }
0x53: {  	s14 =	sadd.s32 s22, s14;
	s20 =	sand.u32 $0x1FFFFFF0, s20;
	s0 =	rddreg [dreg:$0x6]  }
0x54: {  	[hbm:s0], [sflag:s9] =	dma.local [hbm:s14], $0x10  }
0x55: {  	s16 =	sadd.s32 $0x10, s16;
	s31 =	sadd.s32 s22, s20;
	s0 =	rddreg [dreg:$0x8]  }
0x56: {  	[hbm:s0], [sflag:s9] =	dma.local [hbm:s31], $0x10  }
0x57: {  	v3 =	vld [tilespmem:s16+$0x0];
	_ =	sdelay $0x4  }
0x58: {  	v4 =	vsel vm4, $0x0, v3  }
0x59: {  	v5 =	vsel vm6, $0x0, v3;
	(xrf0) =	vadd.scan.msk.s32 $0xffff, v4  }
0x5a: {  	v4 =	vsel vm11, $0x0, v3;
	(xrf0) =	vadd.scan.msk.s32 $0xffff, v5  }
0x5b: {  	v5 =	vsel vm8, $0x0, v3;
	(xrf0) =	vadd.scan.msk.s32 $0xffff, v4  }
0x5c: {  	v4 =	vsel vm7, $0x0, v3;
	(xrf0) =	vadd.scan.msk.s32 $0xffff, v5  }
0x5d: {  	v5 =	vsel vm12, $0x0, v3;
	(xrf0) =	vadd.scan.msk.s32 $0xffff, v4  }
0x5e: {  	v4 =	vsel vm13, $0x0, v3;
	(xrf0) =	vadd.scan.msk.s32 $0xffff, v5  }
0x5f: {  	v8 =	vsel vm1, $0x0, v3;
	v7, _, _ =	vpop (xrf0);
	(xrf0) =	vadd.scan.msk.s32 $0xffff, v4  }
0x60: {  	p0 =	sne.s32 s15, $0x1F00;
	v4 =	vsel vm14, $0x0, v3;
	(xrf0) =	vadd.scan.msk.s32 $0xffff, v8;
	(v2sf) =	vpush v7, $0xF;
	v5, _, _ =	vpop (xrf0)  }
.Ltmp0:
0x61: {  	v62 =	vnsel vm0, $0x0, v3;
	(v2sf) =	vpush v5, $0xF;
	v5, _, _ =	vpop (xrf0);
	(xrf0) =	vadd.scan.msk.s32 $0xffff, v4;
	(pc) =	sbr.rel @p0 .LBB2_2-.Ltmp0, $4  }
0x62: {  	v1 =	vsel vm3, $0x0, v3;
	v4 =	vsel vm9, $0x0, v3;
	(xrf0) =	vadd.scan.msk.s32 $0xffff, v62;
	v63, _, _ =	vpop (xrf0);
	(v2sf) =	vpush v5, $0xF  }
0x63: {  	v2 =	vsel vm5, $0x0, v3;
	v6 =	vsel vm10, $0x0, v3;
	v5, _, _ =	vpop (xrf0);
	(v2sf) =	vpush v63, $0xF;
	(xrf0) =	vadd.scan.msk.s32 $0xffff, v4  }
0x64: {  	v0 =	vsel vm2, $0x0, v3;
	v4 =	vsel vm15, $0x0, v3;
	(v2sf) =	vpush v5, $0xF;
	(xrf0) =	vadd.scan.msk.s32 $0xffff, v6;
	v3, _, _ =	vpop (xrf0)  }
0x65: {  	s15 =	sadd.s32 $0x100, s15;
	s17 =	rddreg [dreg:$0x4];
	(v2sf) =	vpush v3, $0xF;
	v3, _, _ =	vpop (xrf0);
	(xrf0) =	vadd.scan.msk.s32 $0xffff, v4  }
0x66: {  	v4, _, _ =	vpop (xrf0);
	(xrf0) =	vadd.scan.msk.s32 $0xffff, v1  }
0x67: {  	(v2sf) =	vpush v3, $0xF;
	(xrf0) =	vadd.scan.msk.s32 $0xffff, v2;
	v1, _, _ =	vpop (xrf0)  }
0x68: {  	(v2sf) =	vpush v4, $0xF;
	v2, _, _ =	vpop (xrf0);
	(xrf0) =	vadd.scan.msk.s32 $0xffff, v0  }
0x69: {  	(v2sf) =	vpush v1, $0xF;
	v0, _, _ =	vpop (xrf0)  }
0x6a: {  	(v2sf) =	vpush v2, $0xF;
	v1, _, _ =	vpop (xrf0)  }
0x6b: {  	v2, _, _ =	vpop (xrf0)  }
0x6c: {  	(v2sf) =	vpush v0, $0xF;
	v0, _, _ =	vpop (xrf0)  }
0x6d: {  	(v2sf) =	vpush v1, $0xF;
	v1, _, _ =	vpop (xrf0)  }
0x6e: {  	v3, _, _ =	vpop (xrf0)  }
0x6f: {  	(v2sf) =	vpush v3, $0xF  }
0x70: {  	s3 =	spop (v2sf);
	(v2sf) =	vpush v2, $0xF  }
0x71: {  	s5 =	spop (v2sf);
	(v2sf) =	vpush v0, $0xF  }
0x72: {  	s16 =	spop (v2sf);
	(v2sf) =	vpush v1, $0xF  }
0x73: {  	s6 =	spop (v2sf)  }
0x74: {  	s7 =	spop (v2sf)  }
0x75: {  	s2 =	spop (v2sf)  }
0x76: {  	s15 =	spop (v2sf)  }
0x77: {  	s8 =	spop (v2sf)  }
0x78: {  	s1 =	spop (v2sf)  }
0x79: {  	s0 =	spop (v2sf)  }
0x7a: {  	s0 =	sshll.u32 s0, $0x4  }
0x7b: {  	s10 =	spop (v2sf);
	s12 =	sand.u32 $0x1FFFFFF0, s0  }
0x7c: {  	s0 =	sadd.s32 s13, s17;
	s13 =	spop (v2sf);
	s12 =	sadd.s32 s22, s12  }
0x7d: {  	[hbm:s0], [sflag:s9] =	dma.local [hbm:s12], $0x10  }
0x7e: {  	s12 =	spop (v2sf)  }
0x7f: {  	s8 =	sshll.u32 s8, $0x4;
	s14 =	spop (v2sf)  }
0x80: {  	s8 =	sand.u32 $0x1FFFFFF0, s8;
	s31 =	spop (v2sf)  }
0x81: {  	s8 =	sadd.s32 s22, s8;
	s18 =	sadd.s32 $0x10, s0;
	s19 =	spop (v2sf)  }
0x82: {  	[hbm:s18], [sflag:s9] =	dma.local [hbm:s8], $0x10  }
0x83: {  	s3 =	sshll.u32 s3, $0x4;
	s18 =	sshll.u32 s12, $0x4  }
0x84: {  	s3 =	sand.u32 $0x1FFFFFF0, s3;
	s8 =	sand.u32 $0x1FFFFFF0, s18  }
0x85: {  	s20 =	sadd.s32 $0x20, s0;
	s21 =	sshll.u32 s31, $0x4;
	s8 =	sadd.s32 s22, s8  }
0x86: {  	[hbm:s20], [sflag:s9] =	dma.local [hbm:s8], $0x10  }
0x87: {  	s3 =	sadd.s32 s22, s3;
	s23 =	sadd.s32 $0x30, s0;
	s8 =	sand.u32 $0x1FFFFFF0, s21  }
0x88: {  	s24 =	sadd.s32 $0x40, s0;
	s25 =	sshll.u32 s19, $0x4;
	s8 =	sadd.s32 s22, s8  }
0x89: {  	[hbm:s23], [sflag:s9] =	dma.local [hbm:s8], $0x10  }
0x8a: {  	[hbm:s24], [sflag:s9] =	dma.local [hbm:s3], $0x10  }
0x8b: {  	s3 =	sand.u32 $0x1FFFFFF0, s25  }
0x8c: {  	s28 =	sshll.u32 s5, $0x4;
	s26 =	sadd.s32 $0x50, s0;
	s3 =	sadd.s32 s22, s3  }
0x8d: {  	[hbm:s26], [sflag:s9] =	dma.local [hbm:s3], $0x10  }
0x8e: {  	s3 =	sand.u32 $0x1FFFFFF0, s28  }
0x8f: {  	s30 =	sshll.u32 s7, $0x4;
	s29 =	sadd.s32 $0x60, s0;
	s3 =	sadd.s32 s22, s3  }
0x90: {  	[hbm:s29], [sflag:s9] =	dma.local [hbm:s3], $0x10  }
0x91: {  	s3 =	sand.u32 $0x1FFFFFF0, s30  }
0x92: {  	s7 =	sshll.u32 s6, $0x4;
	s31 =	sadd.s32 $0x70, s0;
	s3 =	sadd.s32 s22, s3  }
0x93: {  	[hbm:s31], [sflag:s9] =	dma.local [hbm:s3], $0x10  }
0x94: {  	s2 =	sshll.u32 s2, $0x4;
	s3 =	sand.u32 $0x1FFFFFF0, s7  }
0x95: {  	s12 =	sshll.u32 s10, $0x4;
	s8 =	sadd.s32 $0x80, s0;
	s3 =	sadd.s32 s22, s3  }
0x96: {  	[hbm:s8], [sflag:s9] =	dma.local [hbm:s3], $0x10  }
0x97: {  	s2 =	sand.u32 $0x1FFFFFF0, s2;
	s3 =	sand.u32 $0x1FFFFFF0, s12  }
0x98: {  	s17 =	sadd.s32 $0x90, s0;
	s18 =	sshll.u32 s13, $0x4;
	s3 =	sadd.s32 s22, s3  }
0x99: {  	[hbm:s17], [sflag:s9] =	dma.local [hbm:s3], $0x10  }
0x9a: {  	s2 =	sadd.s32 s22, s2;
	s3 =	sand.u32 $0x1FFFFFF0, s18  }
0x9b: {  	s19 =	sadd.s32 $0xA0, s0;
	s20 =	sshll.u32 s16, $0x4;
	s3 =	sadd.s32 s22, s3  }
0x9c: {  	[hbm:s19], [sflag:s9] =	dma.local [hbm:s3], $0x10  }
0x9d: {  	s1 =	sshll.u32 s1, $0x4;
	s21 =	sadd.s32 $0xB0, s0;
	s3 =	sand.u32 $0x1FFFFFF0, s20  }
0x9e: {  	s23 =	sadd.s32 $0xC0, s0;
	s24 =	sshll.u32 s15, $0x4;
	s3 =	sadd.s32 s22, s3  }
0x9f: {  	[hbm:s21], [sflag:s9] =	dma.local [hbm:s3], $0x10  }
0xa0: {  	[hbm:s23], [sflag:s9] =	dma.local [hbm:s2], $0x10  }
0xa1: {  	s1 =	sand.u32 $0x1FFFFFF0, s1;
	s2 =	sand.u32 $0x1FFFFFF0, s24  }
0xa2: {  	s25 =	sadd.s32 $0xD0, s0;
	s26 =	sshll.u32 s14, $0x4;
	s2 =	sadd.s32 s22, s2  }
0xa3: {  	[hbm:s25], [sflag:s9] =	dma.local [hbm:s2], $0x10  }
0xa4: {  	s1 =	sadd.s32 s22, s1;
	s28 =	sadd.s32 $0xE0, s0;
	s2 =	sand.u32 $0x1FFFFFF0, s26  }
0xa5: {  	s0 =	sadd.s32 $0xF0, s0;
	s29 =	simm.s32 $0x1;
	s2 =	sadd.s32 s22, s2  }
0xa6: {  	[hbm:s28], [sflag:s9] =	dma.local [hbm:s1], $0x10  }
0xa7: {  	[hbm:s0], [sflag:s9] =	dma.local [hbm:s2], $0x10  }
0xa8: {  	_ =	swait.ge [sflag:s29], $0x2000  }
0xa9: {  	s14 =	simm.s32 $0x0;
	[sflag:s29] =	ssyncset.done $0x0  }
0xaa: {  	s31 =	simm.s32 $0x3;
	s30 =	rddreg [dreg:$0x13];
	[sflag:s29] =	ssyncadd.s32 $0xFFFFE000  }
0xab: {  	[tilespmem:s14], [sflag:$0x3] =	stream.linear.gather [hbm4b:s30+s14], $0x200, $0x38;
	[tilespmem:$0x200] =	vst v63  }
0xac: {  	_ =	swait.ge [sflag:s31], $0x200  }
0xad: {  	[sflag:s31] =	ssyncset.done $0x0  }
0xae: {  	[sflag:s31] =	ssyncadd.s32 $0xFFFFFE00  }
0xaf: {  	v0 =	vld [tilespmem:s14+$0x0];
	_ =	sdelay $0x4  }
0xb0: {  	v1 =	vsel vm4, $0x0, v0  }
0xb1: {  	v2 =	vsel vm6, $0x0, v0;
	(xrf0) =	vadd.scan.msk.s32 $0xffff, v1  }
0xb2: {  	v1 =	vsel vm11, $0x0, v0;
	(xrf0) =	vadd.scan.msk.s32 $0xffff, v2  }
0xb3: {  	v2 =	vsel vm8, $0x0, v0;
	(xrf0) =	vadd.scan.msk.s32 $0xffff, v1  }
0xb4: {  	v1 =	vsel vm7, $0x0, v0;
	(xrf0) =	vadd.scan.msk.s32 $0xffff, v2  }
0xb5: {  	v2 =	vsel vm12, $0x0, v0;
	(xrf0) =	vadd.scan.msk.s32 $0xffff, v1  }
0xb6: {  	(xrf0) =	vadd.scan.msk.s32 $0xffff, v2;
	v2 =	vsel vm1, $0x0, v0  }
0xb7: {  	v1 =	vsel vm13, $0x0, v0;
	v3, _, _ =	vpop (xrf0)  }
0xb8: {  	(xrf0) =	vadd.scan.msk.s32 $0xffff, v1;
	(v2sf) =	vpush v3, $0xF;
	v3 =	vnsel vm0, $0x0, v0  }
0xb9: {  	v1 =	vsel vm14, $0x0, v0;
	(xrf0) =	vadd.scan.msk.s32 $0xffff, v2;
	v2, _, _ =	vpop (xrf0)  }
0xba: {  	(xrf0) =	vadd.scan.msk.s32 $0xffff, v1;
	(v2sf) =	vpush v2, $0xF;
	v2, _, _ =	vpop (xrf0)  }
0xbb: {  	v1 =	vsel vm9, $0x0, v0;
	(xrf0) =	vadd.scan.msk.s32 $0xffff, v3;
	v3, _, _ =	vpop (xrf0);
	(v2sf) =	vpush v2, $0xF  }
0xbc: {  	v2 =	vsel vm10, $0x0, v0;
	(xrf0) =	vadd.scan.msk.s32 $0xffff, v1;
	v4, _, _ =	vpop (xrf0);
	(v2sf) =	vpush v3, $0xF  }
0xbd: {  	v5 =	vsel vm15, $0x0, v0;
	v1 =	vsel vm3, $0x0, v0;
	(xrf0) =	vadd.scan.msk.s32 $0xffff, v2;
	(v2sf) =	vpush v4, $0xF;
	v3, _, _ =	vpop (xrf0)  }
0xbe: {  	s13 =	simm.s32 $0x0;
	s16 =	simm.s32 $0x100;
	s17 =	rddreg [dreg:$0x5];
	v2 =	vsel vm5, $0x0, v0;
	v0 =	vsel vm2, $0x0, v0;
	(xrf0) =	vadd.scan.msk.s32 $0xffff, v5;
	(v2sf) =	vpush v3, $0xF;
	v3, _, _ =	vpop (xrf0)  }
.LBB2_4:
0xbf: {  	v4, _, _ =	vpop (xrf0);
	(xrf0) =	vadd.scan.msk.s32 $0xffff, v1;
	(v2sf) =	vpush v3, $0xF  }
0xc0: {  	(v2sf) =	vpush v4, $0xF;
	(xrf0) =	vadd.scan.msk.s32 $0xffff, v2;
	v1, _, _ =	vpop (xrf0)  }
0xc1: {  	v2, _, _ =	vpop (xrf0);
	(xrf0) =	vadd.scan.msk.s32 $0xffff, v0;
	(v2sf) =	vpush v1, $0xF  }
0xc2: {  	s0 =	smov.u32 s16;
	s1 =	sadd.s32 s13, s17;
	(v2sf) =	vpush v2, $0xF;
	v0, _, _ =	vpop (xrf0)  }
0xc3: {  	s2 =	smov.u32 s0;
	s24 =	sadd.s32 $0x10, s1;
	s17 =	sadd.s32 $0x20, s1;
	(v2sf) =	vpush v0, $0xF;
	v0, _, _ =	vpop (xrf0)  }
0xc4: {  	s10 =	sadd.s32 $0xE0, s1;
	s25 =	sadd.s32 $0x40, s1;
	s12 =	sadd.s32 $0xB0, s1;
	(v2sf) =	vpush v0, $0xF;
	v0, _, _ =	vpop (xrf0)  }
0xc5: {  	s13 =	sadd.s32 $0xF0, s1;
	s29 =	sadd.s32 $0x30, s1;
	s15 =	sadd.s32 $0x80, s1;
	v1, _, _ =	vpop (xrf0)  }
0xc6: {  	s18 =	sadd.s32 $0xC0, s1;
	s30 =	sadd.s32 $0x50, s1;
	[dreg:$0xf] =	wrdreg s2;
	v2, _, _ =	vpop (xrf0)  }
0xc7: {  	s26 =	sadd.s32 $0x70, s1;
	s31 =	sadd.s32 $0x60, s1;
	[dreg:$0x7] =	wrdreg s10;
	v3, _, _ =	vpop (xrf0)  }
0xc8: {  	s28 =	sadd.s32 $0xA0, s1;
	[dreg:$0xb] =	wrdreg s12;
	(v2sf) =	vpush v3, $0xF;
	s19 =	spop (v2sf)  }
0xc9: {  	s23 =	sadd.s32 $0xD0, s1;
	[dreg:$0x9] =	wrdreg s13;
	s5 =	spop (v2sf);
	(v2sf) =	vpush v0, $0xF  }
0xca: {  	s3 =	sadd.s32 $0x90, s1;
	[dreg:$0x11] =	wrdreg s15;
	(v2sf) =	vpush v1, $0xF;
	s6 =	spop (v2sf)  }
0xcb: {  	[dreg:$0xd] =	wrdreg s18;
	s2 =	sshll.u32 s19, $0x4;
	s7 =	spop (v2sf);
	(v2sf) =	vpush v2, $0xF  }
0xcc: {  	s5 =	sshll.u32 s5, $0x4;
	s2 =	sand.u32 $0x1FFFFFF0, s2;
	s6 =	sshll.u32 s6, $0x4  }
0xcd: {  	s5 =	sand.u32 $0x1FFFFFF0, s5;
	s2 =	sadd.s32 s4, s2;
	s8 =	spop (v2sf)  }
0xce: {  	s7 =	sshll.u32 s7, $0x4;
	s5 =	sadd.s32 s4, s5;
	s10 =	spop (v2sf)  }
0xcf: {  	s6 =	sand.u32 $0x1FFFFFF0, s6;
	s8 =	sshll.u32 s8, $0x4;
	s12 =	spop (v2sf)  }
0xd0: {  	s7 =	sand.u32 $0x1FFFFFF0, s7;
	s6 =	sadd.s32 s4, s6;
	s20 =	spop (v2sf)  }
0xd1: {  	s8 =	sand.u32 $0x1FFFFFF0, s8;
	s10 =	sshll.u32 s10, $0x4;
	s15 =	spop (v2sf)  }
0xd2: {  	s7 =	sadd.s32 s4, s7;
	s10 =	sand.u32 $0x1FFFFFF0, s10;
	s18 =	spop (v2sf)  }
0xd3: {  	s12 =	sshll.u32 s12, $0x4;
	s8 =	sadd.s32 s4, s8;
	s18 =	sshll.u32 s18, $0x4  }
0xd4: {  	s13 =	sshll.u32 s20, $0x4;
	s19 =	spop (v2sf);
	s18 =	sand.u32 $0x1FFFFFF0, s18  }
0xd5: {  	s13 =	sand.u32 $0x1FFFFFF0, s13;
	s20 =	spop (v2sf);
	s18 =	sadd.s32 s4, s18  }
0xd6: {  	[hbm:s1], [sflag:s11] =	dma.local [hbm:s18], $0x10  }
0xd7: {  	s10 =	sadd.s32 s4, s10;
	s13 =	sadd.s32 s4, s13;
	s18 =	spop (v2sf)  }
0xd8: {  	s21 =	sshll.u32 s20, $0x4;
	s18 =	sshll.u32 s18, $0x4;
	s0 =	spop (v2sf)  }
0xd9: {  	s1 =	sand.u32 $0x1FFFFFF0, s21;
	s18 =	sand.u32 $0x1FFFFFF0, s18;
	s21 =	spop (v2sf)  }
0xda: {  	s20 =	sshll.u32 s0, $0x4;
	s0 =	sshll.u32 s21, $0x4;
	s21 =	spop (v2sf)  }
0xdb: {  	s19 =	sshll.u32 s19, $0x4;
	s18 =	sadd.s32 s4, s18;
	s21 =	sshll.u32 s21, $0x4  }
0xdc: {  	[hbm:s24], [sflag:s11] =	dma.local [hbm:s13], $0x10  }
0xdd: {  	s0 =	sand.u32 $0x1FFFFFF0, s0;
	s21 =	sand.u32 $0x1FFFFFF0, s21;
	s13 =	rddreg [dreg:$0xf]  }
0xde: {  	[hbm:s17], [sflag:s11] =	dma.local [hbm:s18], $0x10  }
0xdf: {  	s19 =	sand.u32 $0x1FFFFFF0, s19;
	s0 =	sadd.s32 s4, s0;
	s21 =	sadd.s32 s4, s21  }
0xe0: {  	[hbm:s29], [sflag:s11] =	dma.local [hbm:s0], $0x10  }
0xe1: {  	[hbm:s25], [sflag:s11] =	dma.local [hbm:s2], $0x10  }
0xe2: {  	[hbm:s30], [sflag:s11] =	dma.local [hbm:s21], $0x10  }
0xe3: {  	[hbm:s31], [sflag:s11] =	dma.local [hbm:s5], $0x10  }
0xe4: {  	[hbm:s26], [sflag:s11] =	dma.local [hbm:s8], $0x10  }
0xe5: {  	s19 =	sadd.s32 s4, s19;
	s1 =	sadd.s32 s4, s1;
	s26 =	rddreg [dreg:$0x11]  }
0xe6: {  	[hbm:s26], [sflag:s11] =	dma.local [hbm:s7], $0x10  }
0xe7: {  	[hbm:s3], [sflag:s11] =	dma.local [hbm:s19], $0x10  }
0xe8: {  	[hbm:s28], [sflag:s11] =	dma.local [hbm:s1], $0x10  }
0xe9: {  	s12 =	sand.u32 $0x1FFFFFF0, s12;
	s15 =	sshll.u32 s15, $0x4;
	s29 =	rddreg [dreg:$0xb]  }
0xea: {  	[hbm:s29], [sflag:s11] =	dma.local [hbm:s6], $0x10  }
0xeb: {  	s15 =	sand.u32 $0x1FFFFFF0, s15;
	s30 =	sadd.s32 s4, s12;
	s0 =	rddreg [dreg:$0xd]  }
0xec: {  	[hbm:s0], [sflag:s11] =	dma.local [hbm:s10], $0x10  }
0xed: {  	[hbm:s23], [sflag:s11] =	dma.local [hbm:s30], $0x10  }
0xee: {  	s15 =	sadd.s32 s4, s15;
	s20 =	sand.u32 $0x1FFFFFF0, s20;
	s0 =	rddreg [dreg:$0x7]  }
0xef: {  	[hbm:s0], [sflag:s11] =	dma.local [hbm:s15], $0x10  }
0xf0: {  	s14 =	sadd.s32 $0x10, s14;
	s31 =	sadd.s32 s4, s20;
	s0 =	rddreg [dreg:$0x9]  }
0xf1: {  	[hbm:s0], [sflag:s11] =	dma.local [hbm:s31], $0x10  }
0xf2: {  	v3 =	vld [tilespmem:s14+$0x0];
	_ =	sdelay $0x4  }
0xf3: {  	v4 =	vsel vm4, $0x0, v3  }
0xf4: {  	v5 =	vsel vm6, $0x0, v3;
	(xrf0) =	vadd.scan.msk.s32 $0xffff, v4  }
0xf5: {  	v4 =	vsel vm11, $0x0, v3;
	(xrf0) =	vadd.scan.msk.s32 $0xffff, v5  }
0xf6: {  	v5 =	vsel vm8, $0x0, v3;
	(xrf0) =	vadd.scan.msk.s32 $0xffff, v4  }
0xf7: {  	v4 =	vsel vm7, $0x0, v3;
	(xrf0) =	vadd.scan.msk.s32 $0xffff, v5  }
0xf8: {  	v5 =	vsel vm12, $0x0, v3;
	(xrf0) =	vadd.scan.msk.s32 $0xffff, v4  }
0xf9: {  	v4 =	vsel vm13, $0x0, v3;
	(xrf0) =	vadd.scan.msk.s32 $0xffff, v5  }
0xfa: {  	v8 =	vsel vm1, $0x0, v3;
	v7, _, _ =	vpop (xrf0);
	(xrf0) =	vadd.scan.msk.s32 $0xffff, v4  }
0xfb: {  	p0 =	sne.s32 s16, $0x1F00;
	v4 =	vsel vm14, $0x0, v3;
	(xrf0) =	vadd.scan.msk.s32 $0xffff, v8;
	(v2sf) =	vpush v7, $0xF;
	v5, _, _ =	vpop (xrf0)  }
.Ltmp1:
0xfc: {  	v62 =	vnsel vm0, $0x0, v3;
	(v2sf) =	vpush v5, $0xF;
	v5, _, _ =	vpop (xrf0);
	(xrf0) =	vadd.scan.msk.s32 $0xffff, v4;
	(pc) =	sbr.rel @p0 .LBB2_4-.Ltmp1, $4  }
0xfd: {  	v1 =	vsel vm3, $0x0, v3;
	v4 =	vsel vm9, $0x0, v3;
	(xrf0) =	vadd.scan.msk.s32 $0xffff, v62;
	v63, _, _ =	vpop (xrf0);
	(v2sf) =	vpush v5, $0xF  }
0xfe: {  	v2 =	vsel vm5, $0x0, v3;
	v6 =	vsel vm10, $0x0, v3;
	v5, _, _ =	vpop (xrf0);
	(v2sf) =	vpush v63, $0xF;
	(xrf0) =	vadd.scan.msk.s32 $0xffff, v4  }
0xff: {  	v0 =	vsel vm2, $0x0, v3;
	v4 =	vsel vm15, $0x0, v3;
	(v2sf) =	vpush v5, $0xF;
	(xrf0) =	vadd.scan.msk.s32 $0xffff, v6;
	v3, _, _ =	vpop (xrf0)  }
0x100: {  	s16 =	sadd.s32 $0x100, s16;
	s17 =	rddreg [dreg:$0x5];
	(v2sf) =	vpush v3, $0xF;
	v3, _, _ =	vpop (xrf0);
	(xrf0) =	vadd.scan.msk.s32 $0xffff, v4  }
0x101: {  	v4, _, _ =	vpop (xrf0);
	(xrf0) =	vadd.scan.msk.s32 $0xffff, v1  }
0x102: {  	(v2sf) =	vpush v3, $0xF;
	(xrf0) =	vadd.scan.msk.s32 $0xffff, v2;
	v56, _, _ =	vpop (xrf0)  }
0x103: {  	(v2sf) =	vpush v4, $0xF;
	v57, _, _ =	vpop (xrf0);
	(xrf0) =	vadd.scan.msk.s32 $0xffff, v0  }
0x104: {  	(v2sf) =	vpush v56, $0xF;
	v58, _, _ =	vpop (xrf0)  }
0x105: {  	(v2sf) =	vpush v57, $0xF;
	v59, _, _ =	vpop (xrf0)  }
0x106: {  	v60, _, _ =	vpop (xrf0)  }
0x107: {  	(v2sf) =	vpush v58, $0xF;
	v61, _, _ =	vpop (xrf0)  }
0x108: {  	(v2sf) =	vpush v59, $0xF;
	v62, _, _ =	vpop (xrf0)  }
0x109: {  	v63, _, _ =	vpop (xrf0)  }
0x10a: {  	(v2sf) =	vpush v63, $0xF  }
0x10b: {  	s3 =	spop (v2sf);
	(v2sf) =	vpush v60, $0xF  }
0x10c: {  	s5 =	spop (v2sf);
	(v2sf) =	vpush v61, $0xF  }
0x10d: {  	s16 =	spop (v2sf);
	(v2sf) =	vpush v62, $0xF  }
0x10e: {  	s6 =	spop (v2sf)  }
0x10f: {  	s7 =	spop (v2sf)  }
0x110: {  	s2 =	spop (v2sf)  }
0x111: {  	s14 =	spop (v2sf)  }
0x112: {  	s8 =	spop (v2sf)  }
0x113: {  	s1 =	spop (v2sf)  }
0x114: {  	s0 =	spop (v2sf)  }
0x115: {  	s0 =	sshll.u32 s0, $0x4  }
0x116: {  	s10 =	spop (v2sf);
	s12 =	sand.u32 $0x1FFFFFF0, s0  }
0x117: {  	s0 =	sadd.s32 s13, s17;
	s13 =	spop (v2sf);
	s12 =	sadd.s32 s4, s12  }
0x118: {  	[hbm:s0], [sflag:s11] =	dma.local [hbm:s12], $0x10  }
0x119: {  	s12 =	spop (v2sf)  }
0x11a: {  	s8 =	sshll.u32 s8, $0x4;
	s15 =	spop (v2sf)  }
0x11b: {  	s8 =	sand.u32 $0x1FFFFFF0, s8;
	s31 =	spop (v2sf)  }
0x11c: {  	s8 =	sadd.s32 s4, s8;
	s18 =	sadd.s32 $0x10, s0;
	s19 =	spop (v2sf)  }
0x11d: {  	[hbm:s18], [sflag:s11] =	dma.local [hbm:s8], $0x10  }
0x11e: {  	s3 =	sshll.u32 s3, $0x4;
	s18 =	sshll.u32 s12, $0x4  }
0x11f: {  	s3 =	sand.u32 $0x1FFFFFF0, s3;
	s8 =	sand.u32 $0x1FFFFFF0, s18  }
0x120: {  	s20 =	sadd.s32 $0x20, s0;
	s21 =	sshll.u32 s31, $0x4;
	s8 =	sadd.s32 s4, s8  }
0x121: {  	[hbm:s20], [sflag:s11] =	dma.local [hbm:s8], $0x10  }
0x122: {  	s3 =	sadd.s32 s4, s3;
	s23 =	sadd.s32 $0x30, s0;
	s8 =	sand.u32 $0x1FFFFFF0, s21  }
0x123: {  	s24 =	sadd.s32 $0x40, s0;
	s25 =	sshll.u32 s19, $0x4;
	s8 =	sadd.s32 s4, s8  }
0x124: {  	[hbm:s23], [sflag:s11] =	dma.local [hbm:s8], $0x10  }
0x125: {  	[hbm:s24], [sflag:s11] =	dma.local [hbm:s3], $0x10  }
0x126: {  	s3 =	sand.u32 $0x1FFFFFF0, s25  }
0x127: {  	s28 =	sshll.u32 s5, $0x4;
	s26 =	sadd.s32 $0x50, s0;
	s3 =	sadd.s32 s4, s3  }
0x128: {  	[hbm:s26], [sflag:s11] =	dma.local [hbm:s3], $0x10  }
0x129: {  	s3 =	sand.u32 $0x1FFFFFF0, s28  }
0x12a: {  	s30 =	sshll.u32 s7, $0x4;
	s29 =	sadd.s32 $0x60, s0;
	s3 =	sadd.s32 s4, s3  }
0x12b: {  	[hbm:s29], [sflag:s11] =	dma.local [hbm:s3], $0x10  }
0x12c: {  	s3 =	sand.u32 $0x1FFFFFF0, s30  }
0x12d: {  	s7 =	sshll.u32 s6, $0x4;
	s31 =	sadd.s32 $0x70, s0;
	s3 =	sadd.s32 s4, s3  }
0x12e: {  	[hbm:s31], [sflag:s11] =	dma.local [hbm:s3], $0x10  }
0x12f: {  	s2 =	sshll.u32 s2, $0x4;
	s3 =	sand.u32 $0x1FFFFFF0, s7  }
0x130: {  	s12 =	sshll.u32 s10, $0x4;
	s8 =	sadd.s32 $0x80, s0;
	s3 =	sadd.s32 s4, s3  }
0x131: {  	[hbm:s8], [sflag:s11] =	dma.local [hbm:s3], $0x10  }
0x132: {  	s2 =	sand.u32 $0x1FFFFFF0, s2;
	s3 =	sand.u32 $0x1FFFFFF0, s12  }
0x133: {  	s17 =	sadd.s32 $0x90, s0;
	s18 =	sshll.u32 s13, $0x4;
	s3 =	sadd.s32 s4, s3  }
0x134: {  	[hbm:s17], [sflag:s11] =	dma.local [hbm:s3], $0x10  }
0x135: {  	s2 =	sadd.s32 s4, s2;
	s1 =	sshll.u32 s1, $0x4;
	s3 =	sand.u32 $0x1FFFFFF0, s18  }
0x136: {  	s19 =	sadd.s32 $0xA0, s0;
	s20 =	sshll.u32 s16, $0x4;
	s3 =	sadd.s32 s4, s3  }
0x137: {  	[hbm:s19], [sflag:s11] =	dma.local [hbm:s3], $0x10  }
0x138: {  	s1 =	sand.u32 $0x1FFFFFF0, s1;
	s21 =	sadd.s32 $0xB0, s0;
	s3 =	sand.u32 $0x1FFFFFF0, s20  }
0x139: {  	s23 =	sadd.s32 $0xC0, s0;
	s24 =	sshll.u32 s14, $0x4;
	s3 =	sadd.s32 s4, s3  }
0x13a: {  	[hbm:s21], [sflag:s11] =	dma.local [hbm:s3], $0x10  }
0x13b: {  	[hbm:s23], [sflag:s11] =	dma.local [hbm:s2], $0x10  }
0x13c: {  	s1 =	sadd.s32 s4, s1;
	s25 =	sadd.s32 $0xD0, s0;
	s2 =	sand.u32 $0x1FFFFFF0, s24  }
0x13d: {  	s26 =	sadd.s32 $0xE0, s0;
	s28 =	sshll.u32 s15, $0x4;
	s2 =	sadd.s32 s4, s2  }
0x13e: {  	[hbm:s25], [sflag:s11] =	dma.local [hbm:s2], $0x10  }
0x13f: {  	[hbm:s26], [sflag:s11] =	dma.local [hbm:s1], $0x10  }
0x140: {  	s1 =	sand.u32 $0x1FFFFFF0, s28  }
0x141: {  	s0 =	sadd.s32 $0xF0, s0;
	s29 =	simm.s32 $0x2;
	s1 =	sadd.s32 s4, s1  }
0x142: {  	[hbm:s0], [sflag:s11] =	dma.local [hbm:s1], $0x10  }
0x143: {  	_ =	swait.ge [sflag:s29], $0x2000  }
0x144: {  	s30 =	rddreg [dreg:$0x15]  }
0x145: {  	s31 =	rddreg [dreg:$0x14];
	s2 =	sadd.s32 $0x1, s30  }
0x146: {  	p0 =	sne.s32 s2, s31  }
.Ltmp2:
0x147: {  	_ = 	snop;
	(pc) =	sbr.rel @p0 .LBB2_1-.Ltmp2, $3  }
0x148: {  	_ =	sdelay $0x1  }
0x149: {  	[sflag:s29] =	ssyncset.done $0x0  }
0x14a: {  	[sflag:s29] =	ssyncadd.s32 $0xFFFFE000  }
0x14b: {  	_ =	sfence.sel $0x180000  }
0x14c: {  	[bflag:$0x0] =	sbarrier.arrive $0xFFFF  }
0x14d: {  	_ =	strace $0x90000047  }
0x14e: {  	s0 =	stileid.u32;
	[bflag:$0x2] =	sbarrier.arrive $0xFFFF  }
0x14f: {  	p0 =	sne.s32 s0, $0x0;
	s0 =	rddreg [dreg:$0x3]  }
0x150: {  	s0 =	sadd.s32 @!p0 $0x100000, s0  }
0x151: {  	[sflag:s0] =	ssyncadd.tile.s32 @!p0 $0x1;
	_ =	shalt  }
.Lfunc_end2:
_tile_overlayer_lowered:
.L_overlay_start_2:
0x152: {  	(tag) =	ssettag $0x2  }
0x153: {  	s0 =	rddreg [dreg:$0x0];
	s2 =	stileid.u32  }
0x154: {  	s1 =	rddreg [dreg:$0x1];
	p0 =	sne.s32 s2, $0x0  }
0x155: {  	s3 =	rddreg [dreg:$0x2];
	[bflag:$0x3] =	sbarrier.arrive $0xFFFF;
	s2 =	simm.s32 @!p0 $0x1C03  }
0x156: {  	[timem:s3], [sflag:s2] =	dma.local @!p0 [hbm:s0], s1  }
0x157: {  	s0 =	simm.s32 @!p0 $0x3  }
0x158: {  	_ =	swait.ge @!p0 [sflag:s0], s1  }
0x159: {  	s1 =	ssub.s32 @!p0 $0x0, s1;
	[sflag:s0] =	ssyncset.done @!p0 $0x0  }
0x15a: {  	[sflag:s0] =	ssyncadd.s32 @!p0 s1  }
0x15b: {  	[bflag:$0x3] =	sbarrier.arrive $0xFFFF  }
0x15c: {  	_ =	shalt  }

</sc_bundles>
